<compile_context>
chip_gen: v7x
topology: tpu7x:2x2x1
jax: 0.10.2.dev20260603
libtpu: 0.0.44.dev20260713+nightly
codegen_flags: <defaults>
</compile_context>

<pallas_src>
import dataclasses
import functools

import jax
import jax.numpy as jnp
from jax import lax
from jax.experimental import pallas as pl
from jax.experimental.pallas import tpu as pltpu
from jax.experimental.pallas import tpu_sc as plsc

_VOCAB = 1000
_DIM = 64
_BATCH = 1024
_SEQ = 50

_NC = 2
_NS = 16
_DSLAB = 8
_NSLAB = _DIM // _DSLAB
_SGRP = 14
_LANES = 16
_UNROLL = 8


def kernel(token_ids, W):
    tok_t = token_ids.T.reshape(_SEQ, 1, _BATCH)
    w_t = W.T
    mesh = plsc.VectorSubcoreMesh(core_axis_name="c", subcore_axis_name="s")
    cp = pltpu.CompilerParams()
    if "needs_layout_passes" in pltpu.CompilerParams.__dataclass_fields__:
        cp = dataclasses.replace(cp, needs_layout_passes=False)

    @functools.partial(
        pl.kernel,
        mesh=mesh,
        compiler_params=cp,
        out_type=jax.ShapeDtypeStruct((_SEQ, _DIM, _BATCH), W.dtype),
        scratch_types=[
            pltpu.VMEM((_DSLAB, _VOCAB), jnp.float32),
            pltpu.VMEM((_SGRP, 1, _BATCH), jnp.int32),
            pltpu.VMEM((1, _DSLAB, _BATCH), jnp.float32),
            pltpu.VMEM((1, _DSLAB, _BATCH), jnp.float32),
            pltpu.SemaphoreType.DMA,
            pltpu.SemaphoreType.DMA,
        ],
    )
    def emb_kernel(w_hbm, tok_hbm, out_hbm, wbuf, tokbuf, ob_a, ob_b, sw_a, sw_b):
        wid = lax.axis_index("s") * _NC + lax.axis_index("c")
        dslab = wid % _NSLAB
        d0 = dslab * _DSLAB
        grp = wid // _NSLAB
        s0 = jnp.minimum(grp * _SGRP, _SEQ - _SGRP)

        pltpu.sync_copy(w_hbm.at[pl.ds(d0, _DSLAB)], wbuf)
        pltpu.sync_copy(tok_hbm.at[pl.ds(s0, _SGRP)], tokbuf)

        obufs = (ob_a, ob_b)
        sws = (sw_a, sw_b)
        dvecs = [jnp.full((_LANES,), d, jnp.int32) for d in range(_DSLAB)]

        def compute(si, ob):
            @pl.loop(0, _BATCH // (_LANES * _UNROLL))
            def _(bgo):
                tvs = [
                    tokbuf[si, 0, pl.ds((bgo * _UNROLL + u) * _LANES, _LANES)]
                    for u in range(_UNROLL)
                ]
                vals = [
                    [plsc.load_gather(wbuf, [dvecs[d], tvs[u]]) for d in range(_DSLAB)]
                    for u in range(_UNROLL)
                ]
                for u in range(_UNROLL):
                    b0 = (bgo * _UNROLL + u) * _LANES
                    for d in range(_DSLAB):
                        ob[0, d, pl.ds(b0, _LANES)] = vals[u][d]

        def wb_start(si, b):
            pltpu.make_async_copy(
                obufs[b],
                out_hbm.at[pl.ds(s0 + si, 1), pl.ds(d0, _DSLAB)],
                sws[b],
            ).start()

        def wb_wait(si, b):
            pltpu.make_async_copy(
                obufs[b],
                out_hbm.at[pl.ds(s0 + si, 1), pl.ds(d0, _DSLAB)],
                sws[b],
            ).wait()

        @pl.loop(0, _SGRP, step=2)
        def _(si):
            @pl.when(si >= 2)
            def _():
                wb_wait(si - 2, 0)

            compute(si, obufs[0])
            wb_start(si, 0)

            @pl.when(si >= 2)
            def _():
                wb_wait(si - 1, 1)

            compute(si + 1, obufs[1])
            wb_start(si + 1, 1)

        wb_wait(_SGRP - 2, 0)
        wb_wait(_SGRP - 1, 1)

    out = emb_kernel(w_t, tok_t)
    return out.transpose(2, 0, 1)

# --- scband reference (transcript-rebuilt; emitter-appended) ---
"""Pipeline reference for scband-embedding-18305150615599 (READ-ONLY COPY).

The authoritative reference and input builder live on the scoring server;
editing this copy changes nothing except your own understanding.
"""

import jax, jax.numpy as jnp
import numpy as np

NUM_EMBEDDINGS = 1000
EMBED_DIM = 64
BATCH = 1024
SEQ_LEN = 50


def setup_inputs(seed: int = 0) -> dict:
    key = jax.random.key(seed)
    k_idx, k_w = jax.random.split(key)
    token_ids = jax.random.randint(k_idx, (BATCH, SEQ_LEN), 0, NUM_EMBEDDINGS, dtype=jnp.int64 if jax.config.jax_enable_x64 else jnp.int32)
    # trunc_normal_(mean=0, std=1, a=-3, b=3)
    W = jax.random.truncated_normal(k_w, -3.0, 3.0, (NUM_EMBEDDINGS, EMBED_DIM), dtype=jnp.float32)
    return {"token_ids": token_ids, "W": W}


def reference(token_ids, W):
    # Faithful to the torch module: one-hot the tokens then contract with the
    # learnable weight (einsum 'batch seq vocab, vocab dim -> batch seq dim').
    one_hot = jax.nn.one_hot(token_ids, NUM_EMBEDDINGS, dtype=W.dtype)
    out = jnp.einsum('bsv,vd->bsd', one_hot, W)
    return out

if __name__ == "__main__":
    import jax
    _d = setup_inputs()
    print(jax.jit(kernel)(*tuple(_d.values())))

</pallas_src>

<mosaic_0001>
#map = affine_map<(d0, d1) -> (0, 0)>
#map1 = affine_map<(d0, d1) -> (0, 0, 0)>
module attributes {stable_mosaic.version = 14 : i64} {
  func.func @emb_kernel(%arg0: i32, %arg1: i32, %arg2: memref<64x1000xf32, #tpu.memory_space<hbm>>, %arg3: memref<50x1x1024xi32, #tpu.memory_space<hbm>>, %arg4: memref<50x64x1024xf32, #tpu.memory_space<hbm>>, %arg5: memref<8x1000xf32, #tpu.memory_space<vmem>>, %arg6: memref<14x1x1024xi32, #tpu.memory_space<vmem>>, %arg7: memref<1x8x1024xf32, #tpu.memory_space<vmem>>, %arg8: memref<1x8x1024xf32, #tpu.memory_space<vmem>>, %arg9: memref<!tpu.dma_semaphore, #tpu.memory_space<semaphore_mem>>, %arg10: memref<!tpu.dma_semaphore, #tpu.memory_space<semaphore_mem>>) attributes {dimension_semantics = [#tpu.dimension_semantics<core_parallel>, #tpu.dimension_semantics<subcore_parallel>], iteration_bounds = array<i64: 2, 16>, scalar_prefetch = 0 : i64, scratch_operands = 6 : i64, tpu.core_type = #tpu.core_type<sc_vector_subcore>, window_params = [{transform_indices = #map}, {transform_indices = #map1}, {transform_indices = #map1}]} {
    %mul3A = arith.constant 2 : i32
    %mul3A_0 = arith.muli %arg1, %mul3A : i32
    %add3A = arith.addi %mul3A_0, %arg0 : i32
    %jit3A = arith.constant 8 : i32
    %eq3A = arith.constant 0 : i32
    %eq3A_1 = arith.cmpi eq, %jit3A, %eq3A : i32
    %jit3A_2 = arith.constant 1 : i32
    %select_n3A = arith.select %eq3A_1, %jit3A_2, %jit3A : i32
    %rem3A = arith.remsi %add3A, %select_n3A : i32
    %ne3A = arith.constant 0 : i32
    %ne3A_3 = arith.cmpi ne, %rem3A, %ne3A : i32
    %lt3A = arith.constant 0 : i32
    %lt3A_4 = arith.cmpi slt, %rem3A, %lt3A : i32
    %lt3A_5 = arith.constant 0 : i32
    %lt3A_6 = arith.cmpi slt, %select_n3A, %lt3A_5 : i32
    %ne3A_7 = arith.xori %lt3A_4, %lt3A_6 : i1
    %and3A = arith.andi %ne3A_7, %ne3A_3 : i1
    %add3A_8 = arith.addi %rem3A, %select_n3A : i32
    %select_n3A_9 = arith.select %and3A, %add3A_8, %rem3A : i32
    %mul3A_10 = arith.constant 8 : i32
    %mul3A_11 = arith.muli %select_n3A_9, %mul3A_10 : i32
    %jit3A_12 = arith.constant 8 : i32
    %div3A = arith.divsi %add3A, %jit3A_12 : i32
    %sign3A = arith.constant 0 : i32
    %sign3A_13 = arith.cmpi sgt, %add3A, %sign3A : i32
    %sign3A_14 = arith.extui %sign3A_13 : i1 to i32
    %sign3A_15 = arith.constant 0 : i32
    %sign3A_16 = arith.cmpi slt, %add3A, %sign3A_15 : i32
    %sign3A_17 = arith.extui %sign3A_16 : i1 to i32
    %sign3A_18 = arith.subi %sign3A_14, %sign3A_17 : i32
    %sign3A_19 = arith.constant 0 : i32
    %sign3A_20 = arith.cmpi sgt, %jit3A_12, %sign3A_19 : i32
    %sign3A_21 = arith.extui %sign3A_20 : i1 to i32
    %sign3A_22 = arith.constant 0 : i32
    %sign3A_23 = arith.cmpi slt, %jit3A_12, %sign3A_22 : i32
    %sign3A_24 = arith.extui %sign3A_23 : i1 to i32
    %sign3A_25 = arith.subi %sign3A_21, %sign3A_24 : i32
    %ne3A_26 = arith.cmpi ne, %sign3A_18, %sign3A_25 : i32
    %rem3A_27 = arith.remsi %add3A, %jit3A_12 : i32
    %ne3A_28 = arith.constant 0 : i32
    %ne3A_29 = arith.cmpi ne, %rem3A_27, %ne3A_28 : i32
    %and3A_30 = arith.andi %ne3A_26, %ne3A_29 : i1
    %sub3A = arith.constant 1 : i32
    %sub3A_31 = arith.subi %div3A, %sub3A : i32
    %select_n3A_32 = arith.select %and3A_30, %sub3A_31, %div3A : i32
    %mul3A_33 = arith.constant 14 : i32
    %mul3A_34 = arith.muli %select_n3A_32, %mul3A_33 : i32
    %min3A = arith.constant 36 : i32
    %min3A_35 = arith.minsi %mul3A_34, %min3A : i32
    "tpu.region"() ({
      %run_scoped3A = tpu.sem_alloc : memref<!tpu.dma_semaphore, #tpu.memory_space<semaphore_mem>>
      %dma_start3A = arith.constant 0 : i32
      %dma_start3A_66 = tpu.memref_slice %arg2[%mul3A_11, %dma_start3A] : memref<64x1000xf32, #tpu.memory_space<hbm>> -> memref<8x1000xf32, #tpu.memory_space<hbm>>
      %dma_start3A_67 = arith.constant 0 : i32
      %dma_start3A_68 = tpu.memref_slice %arg2[%mul3A_11, %dma_start3A_67] : memref<64x1000xf32, #tpu.memory_space<hbm>> -> memref<8x1000xf32, #tpu.memory_space<hbm>>
      tpu.enqueue_dma source(%dma_start3A_68 : memref<8x1000xf32, #tpu.memory_space<hbm>>) target(%arg5 : memref<8x1000xf32, #tpu.memory_space<vmem>>) target_semaphore(%run_scoped3A : memref<!tpu.dma_semaphore, #tpu.memory_space<semaphore_mem>>)
      %dma_wait3A_69 = arith.constant 0 : i32
      %dma_wait3A_70 = tpu.memref_slice %arg2[%mul3A_11, %dma_wait3A_69] : memref<64x1000xf32, #tpu.memory_space<hbm>> -> memref<8x1000xf32, #tpu.memory_space<hbm>>
      %dma_wait3A_71 = arith.constant 0 : i32
      %dma_wait3A_72 = tpu.memref_slice %arg2[%mul3A_11, %dma_wait3A_71] : memref<64x1000xf32, #tpu.memory_space<hbm>> -> memref<8x1000xf32, #tpu.memory_space<hbm>>
      tpu.wait_dma2 semaphore(%run_scoped3A : memref<!tpu.dma_semaphore, #tpu.memory_space<semaphore_mem>>) src(%dma_wait3A_72 : memref<8x1000xf32, #tpu.memory_space<hbm>>) dst(%arg5 : memref<8x1000xf32, #tpu.memory_space<vmem>>)
      tpu.yield
    }) : () -> ()
    "tpu.region"() ({
      %run_scoped3A = tpu.sem_alloc : memref<!tpu.dma_semaphore, #tpu.memory_space<semaphore_mem>>
      %dma_start3A = arith.constant 0 : i32
      %dma_start3A_66 = arith.constant 0 : i32
      %dma_start3A_67 = tpu.memref_slice %arg3[%min3A_35, %dma_start3A, %dma_start3A_66] : memref<50x1x1024xi32, #tpu.memory_space<hbm>> -> memref<14x1x1024xi32, #tpu.memory_space<hbm>>
      %dma_start3A_68 = arith.constant 0 : i32
      %dma_start3A_69 = arith.constant 0 : i32
      %dma_start3A_70 = tpu.memref_slice %arg3[%min3A_35, %dma_start3A_68, %dma_start3A_69] : memref<50x1x1024xi32, #tpu.memory_space<hbm>> -> memref<14x1x1024xi32, #tpu.memory_space<hbm>>
      tpu.enqueue_dma source(%dma_start3A_70 : memref<14x1x1024xi32, #tpu.memory_space<hbm>>) target(%arg6 : memref<14x1x1024xi32, #tpu.memory_space<vmem>>) target_semaphore(%run_scoped3A : memref<!tpu.dma_semaphore, #tpu.memory_space<semaphore_mem>>)
      %dma_wait3A_71 = arith.constant 0 : i32
      %dma_wait3A_72 = arith.constant 0 : i32
      %dma_wait3A_73 = tpu.memref_slice %arg3[%min3A_35, %dma_wait3A_71, %dma_wait3A_72] : memref<50x1x1024xi32, #tpu.memory_space<hbm>> -> memref<14x1x1024xi32, #tpu.memory_space<hbm>>
      %dma_wait3A_74 = arith.constant 0 : i32
      %dma_wait3A_75 = arith.constant 0 : i32
      %dma_wait3A_76 = tpu.memref_slice %arg3[%min3A_35, %dma_wait3A_74, %dma_wait3A_75] : memref<50x1x1024xi32, #tpu.memory_space<hbm>> -> memref<14x1x1024xi32, #tpu.memory_space<hbm>>
      tpu.wait_dma2 semaphore(%run_scoped3A : memref<!tpu.dma_semaphore, #tpu.memory_space<semaphore_mem>>) src(%dma_wait3A_76 : memref<14x1x1024xi32, #tpu.memory_space<hbm>>) dst(%arg6 : memref<14x1x1024xi32, #tpu.memory_space<vmem>>)
      tpu.yield
    }) : () -> ()
    %broadcast_in_dim3A = arith.constant 0 : i32
    %broadcast_in_dim3A_36 = vector.broadcast %broadcast_in_dim3A : i32 to vector<16xi32>
    %broadcast_in_dim3A_37 = arith.constant 1 : i32
    %broadcast_in_dim3A_38 = vector.broadcast %broadcast_in_dim3A_37 : i32 to vector<16xi32>
    %broadcast_in_dim3A_39 = arith.constant 2 : i32
    %broadcast_in_dim3A_40 = vector.broadcast %broadcast_in_dim3A_39 : i32 to vector<16xi32>
    %broadcast_in_dim3A_41 = arith.constant 3 : i32
    %broadcast_in_dim3A_42 = vector.broadcast %broadcast_in_dim3A_41 : i32 to vector<16xi32>
    %broadcast_in_dim3A_43 = arith.constant 4 : i32
    %broadcast_in_dim3A_44 = vector.broadcast %broadcast_in_dim3A_43 : i32 to vector<16xi32>
    %broadcast_in_dim3A_45 = arith.constant 5 : i32
    %broadcast_in_dim3A_46 = vector.broadcast %broadcast_in_dim3A_45 : i32 to vector<16xi32>
    %broadcast_in_dim3A_47 = arith.constant 6 : i32
    %broadcast_in_dim3A_48 = vector.broadcast %broadcast_in_dim3A_47 : i32 to vector<16xi32>
    %broadcast_in_dim3A_49 = arith.constant 7 : i32
    %broadcast_in_dim3A_50 = vector.broadcast %broadcast_in_dim3A_49 : i32 to vector<16xi32>
    %scan3A = arith.constant 0 : i32
    %scan3A_51 = arith.constant 7 : i32
    %scan3A_52 = arith.addi %scan3A, %scan3A_51 : i32
    %scan3A_53 = arith.constant 1 : i32
    scf.for %scan3A_66 = %scan3A to %scan3A_52 step %scan3A_53  : i32 {
      %mul3A_67 = arith.constant 2 : i32
      %mul3A_68 = arith.muli %scan3A_66, %mul3A_67 : i32
      %add3A_69 = arith.constant 0 : i32
      %add3A_70 = arith.addi %add3A_69, %mul3A_68 : i32
      %ge3A = arith.constant 2 : i32
      %ge3A_71 = arith.cmpi sge, %add3A_70, %ge3A : i32
      %convert_element_type3A = arith.extui %ge3A_71 : i1 to i32
      %cond3A = arith.constant 0 : i32
      %cond3A_72 = arith.cmpi ne, %convert_element_type3A, %cond3A : i32
      scf.if %cond3A_72 {
        %sub3A_101 = arith.constant 2 : i32
        %sub3A_102 = arith.subi %add3A_70, %sub3A_101 : i32
        %add3A_103 = arith.addi %min3A_35, %sub3A_102 : i32
        %dma_wait3A_104 = arith.constant 0 : i32
        %dma_wait3A_105 = tpu.memref_slice %arg4[%add3A_103, %mul3A_11, %dma_wait3A_104] : memref<50x64x1024xf32, #tpu.memory_space<hbm>> -> memref<1x8x1024xf32, #tpu.memory_space<hbm>>
        %dma_wait3A_106 = arith.constant 0 : i32
        %dma_wait3A_107 = tpu.memref_slice %arg4[%add3A_103, %mul3A_11, %dma_wait3A_106] : memref<50x64x1024xf32, #tpu.memory_space<hbm>> -> memref<1x8x1024xf32, #tpu.memory_space<hbm>>
        tpu.wait_dma2 semaphore(%arg9 : memref<!tpu.dma_semaphore, #tpu.memory_space<semaphore_mem>>) src(%arg7 : memref<1x8x1024xf32, #tpu.memory_space<vmem>>) dst(%dma_wait3A_107 : memref<1x8x1024xf32, #tpu.memory_space<hbm>>)
      } else {
      }
      %scan3A_73 = arith.constant 0 : i32
      %scan3A_74 = arith.constant 8 : i32
      %scan3A_75 = arith.addi %scan3A_73, %scan3A_74 : i32
      %scan3A_76 = arith.constant 1 : i32
      scf.for %scan3A_101 = %scan3A_73 to %scan3A_75 step %scan3A_76  : i32 {
        %mul3A_102 = arith.constant 1 : i32
        %mul3A_103 = arith.muli %scan3A_101, %mul3A_102 : i32
        %add3A_104 = arith.constant 0 : i32
        %add3A_105 = arith.addi %add3A_104, %mul3A_103 : i32
        %mul3A_106 = arith.constant 8 : i32
        %mul3A_107 = arith.muli %add3A_105, %mul3A_106 : i32
        %add3A_108 = arith.constant 0 : i32
        %add3A_109 = arith.addi %mul3A_107, %add3A_108 : i32
        %mul3A_110 = arith.constant 16 : i32
        %mul3A_111 = arith.muli %add3A_109, %mul3A_110 : i32
        %get3A = arith.constant 0 : i32
        %get3A_112 = arith.index_cast %add3A_70 : i32 to index
        %get3A_113 = arith.index_cast %get3A : i32 to index
        %get3A_114 = arith.index_cast %mul3A_111 : i32 to index
        %get3A_115 = tpu.vector_load %arg6[%get3A_112, %get3A_113, %get3A_114] {strides = array<i32>} : memref<14x1x1024xi32, #tpu.memory_space<vmem>>, vector<16xi32>,
        %mul3A_116 = arith.constant 8 : i32
        %mul3A_117 = arith.muli %add3A_105, %mul3A_116 : i32
        %add3A_118 = arith.constant 1 : i32
        %add3A_119 = arith.addi %mul3A_117, %add3A_118 : i32
        %mul3A_120 = arith.constant 16 : i32
        %mul3A_121 = arith.muli %add3A_119, %mul3A_120 : i32
        %get3A_122 = arith.constant 0 : i32
        %get3A_123 = arith.index_cast %add3A_70 : i32 to index
        %get3A_124 = arith.index_cast %get3A_122 : i32 to index
        %get3A_125 = arith.index_cast %mul3A_121 : i32 to index
        %get3A_126 = tpu.vector_load %arg6[%get3A_123, %get3A_124, %get3A_125] {strides = array<i32>} : memref<14x1x1024xi32, #tpu.memory_space<vmem>>, vector<16xi32>,
        %mul3A_127 = arith.constant 8 : i32
        %mul3A_128 = arith.muli %add3A_105, %mul3A_127 : i32
        %add3A_129 = arith.constant 2 : i32
        %add3A_130 = arith.addi %mul3A_128, %add3A_129 : i32
        %mul3A_131 = arith.constant 16 : i32
        %mul3A_132 = arith.muli %add3A_130, %mul3A_131 : i32
        %get3A_133 = arith.constant 0 : i32
        %get3A_134 = arith.index_cast %add3A_70 : i32 to index
        %get3A_135 = arith.index_cast %get3A_133 : i32 to index
        %get3A_136 = arith.index_cast %mul3A_132 : i32 to index
        %get3A_137 = tpu.vector_load %arg6[%get3A_134, %get3A_135, %get3A_136] {strides = array<i32>} : memref<14x1x1024xi32, #tpu.memory_space<vmem>>, vector<16xi32>,
        %mul3A_138 = arith.constant 8 : i32
        %mul3A_139 = arith.muli %add3A_105, %mul3A_138 : i32
        %add3A_140 = arith.constant 3 : i32
        %add3A_141 = arith.addi %mul3A_139, %add3A_140 : i32
        %mul3A_142 = arith.constant 16 : i32
        %mul3A_143 = arith.muli %add3A_141, %mul3A_142 : i32
        %get3A_144 = arith.constant 0 : i32
        %get3A_145 = arith.index_cast %add3A_70 : i32 to index
        %get3A_146 = arith.index_cast %get3A_144 : i32 to index
        %get3A_147 = arith.index_cast %mul3A_143 : i32 to index
        %get3A_148 = tpu.vector_load %arg6[%get3A_145, %get3A_146, %get3A_147] {strides = array<i32>} : memref<14x1x1024xi32, #tpu.memory_space<vmem>>, vector<16xi32>,
        %mul3A_149 = arith.constant 8 : i32
        %mul3A_150 = arith.muli %add3A_105, %mul3A_149 : i32
        %add3A_151 = arith.constant 4 : i32
        %add3A_152 = arith.addi %mul3A_150, %add3A_151 : i32
        %mul3A_153 = arith.constant 16 : i32
        %mul3A_154 = arith.muli %add3A_152, %mul3A_153 : i32
        %get3A_155 = arith.constant 0 : i32
        %get3A_156 = arith.index_cast %add3A_70 : i32 to index
        %get3A_157 = arith.index_cast %get3A_155 : i32 to index
        %get3A_158 = arith.index_cast %mul3A_154 : i32 to index
        %get3A_159 = tpu.vector_load %arg6[%get3A_156, %get3A_157, %get3A_158] {strides = array<i32>} : memref<14x1x1024xi32, #tpu.memory_space<vmem>>, vector<16xi32>,
        %mul3A_160 = arith.constant 8 : i32
        %mul3A_161 = arith.muli %add3A_105, %mul3A_160 : i32
        %add3A_162 = arith.constant 5 : i32
        %add3A_163 = arith.addi %mul3A_161, %add3A_162 : i32
        %mul3A_164 = arith.constant 16 : i32
        %mul3A_165 = arith.muli %add3A_163, %mul3A_164 : i32
        %get3A_166 = arith.constant 0 : i32
        %get3A_167 = arith.index_cast %add3A_70 : i32 to index
        %get3A_168 = arith.index_cast %get3A_166 : i32 to index
        %get3A_169 = arith.index_cast %mul3A_165 : i32 to index
        %get3A_170 = tpu.vector_load %arg6[%get3A_167, %get3A_168, %get3A_169] {strides = array<i32>} : memref<14x1x1024xi32, #tpu.memory_space<vmem>>, vector<16xi32>,
        %mul3A_171 = arith.constant 8 : i32
        %mul3A_172 = arith.muli %add3A_105, %mul3A_171 : i32
        %add3A_173 = arith.constant 6 : i32
        %add3A_174 = arith.addi %mul3A_172, %add3A_173 : i32
        %mul3A_175 = arith.constant 16 : i32
        %mul3A_176 = arith.muli %add3A_174, %mul3A_175 : i32
        %get3A_177 = arith.constant 0 : i32
        %get3A_178 = arith.index_cast %add3A_70 : i32 to index
        %get3A_179 = arith.index_cast %get3A_177 : i32 to index
        %get3A_180 = arith.index_cast %mul3A_176 : i32 to index
        %get3A_181 = tpu.vector_load %arg6[%get3A_178, %get3A_179, %get3A_180] {strides = array<i32>} : memref<14x1x1024xi32, #tpu.memory_space<vmem>>, vector<16xi32>,
        %mul3A_182 = arith.constant 8 : i32
        %mul3A_183 = arith.muli %add3A_105, %mul3A_182 : i32
        %add3A_184 = arith.constant 7 : i32
        %add3A_185 = arith.addi %mul3A_183, %add3A_184 : i32
        %mul3A_186 = arith.constant 16 : i32
        %mul3A_187 = arith.muli %add3A_185, %mul3A_186 : i32
        %get3A_188 = arith.constant 0 : i32
        %get3A_189 = arith.index_cast %add3A_70 : i32 to index
        %get3A_190 = arith.index_cast %get3A_188 : i32 to index
        %get3A_191 = arith.index_cast %mul3A_187 : i32 to index
        %get3A_192 = tpu.vector_load %arg6[%get3A_189, %get3A_190, %get3A_191] {strides = array<i32>} : memref<14x1x1024xi32, #tpu.memory_space<vmem>>, vector<16xi32>,
        %gather3A = tpu.vector_load_idx %arg5[%broadcast_in_dim3A_36, %get3A_115] : memref<8x1000xf32, #tpu.memory_space<vmem>>[vector<16xi32>, vector<16xi32>], vector<16xf32>,
        %gather3A_193 = tpu.vector_load_idx %arg5[%broadcast_in_dim3A_38, %get3A_115] : memref<8x1000xf32, #tpu.memory_space<vmem>>[vector<16xi32>, vector<16xi32>], vector<16xf32>,
        %gather3A_194 = tpu.vector_load_idx %arg5[%broadcast_in_dim3A_40, %get3A_115] : memref<8x1000xf32, #tpu.memory_space<vmem>>[vector<16xi32>, vector<16xi32>], vector<16xf32>,
        %gather3A_195 = tpu.vector_load_idx %arg5[%broadcast_in_dim3A_42, %get3A_115] : memref<8x1000xf32, #tpu.memory_space<vmem>>[vector<16xi32>, vector<16xi32>], vector<16xf32>,
        %gather3A_196 = tpu.vector_load_idx %arg5[%broadcast_in_dim3A_44, %get3A_115] : memref<8x1000xf32, #tpu.memory_space<vmem>>[vector<16xi32>, vector<16xi32>], vector<16xf32>,
        %gather3A_197 = tpu.vector_load_idx %arg5[%broadcast_in_dim3A_46, %get3A_115] : memref<8x1000xf32, #tpu.memory_space<vmem>>[vector<16xi32>, vector<16xi32>], vector<16xf32>,
        %gather3A_198 = tpu.vector_load_idx %arg5[%broadcast_in_dim3A_48, %get3A_115] : memref<8x1000xf32, #tpu.memory_space<vmem>>[vector<16xi32>, vector<16xi32>], vector<16xf32>,
        %gather3A_199 = tpu.vector_load_idx %arg5[%broadcast_in_dim3A_50, %get3A_115] : memref<8x1000xf32, #tpu.memory_space<vmem>>[vector<16xi32>, vector<16xi32>], vector<16xf32>,
        %gather3A_200 = tpu.vector_load_idx %arg5[%broadcast_in_dim3A_36, %get3A_126] : memref<8x1000xf32, #tpu.memory_space<vmem>>[vector<16xi32>, vector<16xi32>], vector<16xf32>,
        %gather3A_201 = tpu.vector_load_idx %arg5[%broadcast_in_dim3A_38, %get3A_126] : memref<8x1000xf32, #tpu.memory_space<vmem>>[vector<16xi32>, vector<16xi32>], vector<16xf32>,
        %gather3A_202 = tpu.vector_load_idx %arg5[%broadcast_in_dim3A_40, %get3A_126] : memref<8x1000xf32, #tpu.memory_space<vmem>>[vector<16xi32>, vector<16xi32>], vector<16xf32>,
        %gather3A_203 = tpu.vector_load_idx %arg5[%broadcast_in_dim3A_42, %get3A_126] : memref<8x1000xf32, #tpu.memory_space<vmem>>[vector<16xi32>, vector<16xi32>], vector<16xf32>,
        %gather3A_204 = tpu.vector_load_idx %arg5[%broadcast_in_dim3A_44, %get3A_126] : memref<8x1000xf32, #tpu.memory_space<vmem>>[vector<16xi32>, vector<16xi32>], vector<16xf32>,
        %gather3A_205 = tpu.vector_load_idx %arg5[%broadcast_in_dim3A_46, %get3A_126] : memref<8x1000xf32, #tpu.memory_space<vmem>>[vector<16xi32>, vector<16xi32>], vector<16xf32>,
        %gather3A_206 = tpu.vector_load_idx %arg5[%broadcast_in_dim3A_48, %get3A_126] : memref<8x1000xf32, #tpu.memory_space<vmem>>[vector<16xi32>, vector<16xi32>], vector<16xf32>,
        %gather3A_207 = tpu.vector_load_idx %arg5[%broadcast_in_dim3A_50, %get3A_126] : memref<8x1000xf32, #tpu.memory_space<vmem>>[vector<16xi32>, vector<16xi32>], vector<16xf32>,
        %gather3A_208 = tpu.vector_load_idx %arg5[%broadcast_in_dim3A_36, %get3A_137] : memref<8x1000xf32, #tpu.memory_space<vmem>>[vector<16xi32>, vector<16xi32>], vector<16xf32>,
        %gather3A_209 = tpu.vector_load_idx %arg5[%broadcast_in_dim3A_38, %get3A_137] : memref<8x1000xf32, #tpu.memory_space<vmem>>[vector<16xi32>, vector<16xi32>], vector<16xf32>,
        %gather3A_210 = tpu.vector_load_idx %arg5[%broadcast_in_dim3A_40, %get3A_137] : memref<8x1000xf32, #tpu.memory_space<vmem>>[vector<16xi32>, vector<16xi32>], vector<16xf32>,
        %gather3A_211 = tpu.vector_load_idx %arg5[%broadcast_in_dim3A_42, %get3A_137] : memref<8x1000xf32, #tpu.memory_space<vmem>>[vector<16xi32>, vector<16xi32>], vector<16xf32>,
        %gather3A_212 = tpu.vector_load_idx %arg5[%broadcast_in_dim3A_44, %get3A_137] : memref<8x1000xf32, #tpu.memory_space<vmem>>[vector<16xi32>, vector<16xi32>], vector<16xf32>,
        %gather3A_213 = tpu.vector_load_idx %arg5[%broadcast_in_dim3A_46, %get3A_137] : memref<8x1000xf32, #tpu.memory_space<vmem>>[vector<16xi32>, vector<16xi32>], vector<16xf32>,
        %gather3A_214 = tpu.vector_load_idx %arg5[%broadcast_in_dim3A_48, %get3A_137] : memref<8x1000xf32, #tpu.memory_space<vmem>>[vector<16xi32>, vector<16xi32>], vector<16xf32>,
        %gather3A_215 = tpu.vector_load_idx %arg5[%broadcast_in_dim3A_50, %get3A_137] : memref<8x1000xf32, #tpu.memory_space<vmem>>[vector<16xi32>, vector<16xi32>], vector<16xf32>,
        %gather3A_216 = tpu.vector_load_idx %arg5[%broadcast_in_dim3A_36, %get3A_148] : memref<8x1000xf32, #tpu.memory_space<vmem>>[vector<16xi32>, vector<16xi32>], vector<16xf32>,
        %gather3A_217 = tpu.vector_load_idx %arg5[%broadcast_in_dim3A_38, %get3A_148] : memref<8x1000xf32, #tpu.memory_space<vmem>>[vector<16xi32>, vector<16xi32>], vector<16xf32>,
        %gather3A_218 = tpu.vector_load_idx %arg5[%broadcast_in_dim3A_40, %get3A_148] : memref<8x1000xf32, #tpu.memory_space<vmem>>[vector<16xi32>, vector<16xi32>], vector<16xf32>,
        %gather3A_219 = tpu.vector_load_idx %arg5[%broadcast_in_dim3A_42, %get3A_148] : memref<8x1000xf32, #tpu.memory_space<vmem>>[vector<16xi32>, vector<16xi32>], vector<16xf32>,
        %gather3A_220 = tpu.vector_load_idx %arg5[%broadcast_in_dim3A_44, %get3A_148] : memref<8x1000xf32, #tpu.memory_space<vmem>>[vector<16xi32>, vector<16xi32>], vector<16xf32>,
        %gather3A_221 = tpu.vector_load_idx %arg5[%broadcast_in_dim3A_46, %get3A_148] : memref<8x1000xf32, #tpu.memory_space<vmem>>[vector<16xi32>, vector<16xi32>], vector<16xf32>,
        %gather3A_222 = tpu.vector_load_idx %arg5[%broadcast_in_dim3A_48, %get3A_148] : memref<8x1000xf32, #tpu.memory_space<vmem>>[vector<16xi32>, vector<16xi32>], vector<16xf32>,
        %gather3A_223 = tpu.vector_load_idx %arg5[%broadcast_in_dim3A_50, %get3A_148] : memref<8x1000xf32, #tpu.memory_space<vmem>>[vector<16xi32>, vector<16xi32>], vector<16xf32>,
        %gather3A_224 = tpu.vector_load_idx %arg5[%broadcast_in_dim3A_36, %get3A_159] : memref<8x1000xf32, #tpu.memory_space<vmem>>[vector<16xi32>, vector<16xi32>], vector<16xf32>,
        %gather3A_225 = tpu.vector_load_idx %arg5[%broadcast_in_dim3A_38, %get3A_159] : memref<8x1000xf32, #tpu.memory_space<vmem>>[vector<16xi32>, vector<16xi32>], vector<16xf32>,
        %gather3A_226 = tpu.vector_load_idx %arg5[%broadcast_in_dim3A_40, %get3A_159] : memref<8x1000xf32, #tpu.memory_space<vmem>>[vector<16xi32>, vector<16xi32>], vector<16xf32>,
        %gather3A_227 = tpu.vector_load_idx %arg5[%broadcast_in_dim3A_42, %get3A_159] : memref<8x1000xf32, #tpu.memory_space<vmem>>[vector<16xi32>, vector<16xi32>], vector<16xf32>,
        %gather3A_228 = tpu.vector_load_idx %arg5[%broadcast_in_dim3A_44, %get3A_159] : memref<8x1000xf32, #tpu.memory_space<vmem>>[vector<16xi32>, vector<16xi32>], vector<16xf32>,
        %gather3A_229 = tpu.vector_load_idx %arg5[%broadcast_in_dim3A_46, %get3A_159] : memref<8x1000xf32, #tpu.memory_space<vmem>>[vector<16xi32>, vector<16xi32>], vector<16xf32>,
        %gather3A_230 = tpu.vector_load_idx %arg5[%broadcast_in_dim3A_48, %get3A_159] : memref<8x1000xf32, #tpu.memory_space<vmem>>[vector<16xi32>, vector<16xi32>], vector<16xf32>,
        %gather3A_231 = tpu.vector_load_idx %arg5[%broadcast_in_dim3A_50, %get3A_159] : memref<8x1000xf32, #tpu.memory_space<vmem>>[vector<16xi32>, vector<16xi32>], vector<16xf32>,
        %gather3A_232 = tpu.vector_load_idx %arg5[%broadcast_in_dim3A_36, %get3A_170] : memref<8x1000xf32, #tpu.memory_space<vmem>>[vector<16xi32>, vector<16xi32>], vector<16xf32>,
        %gather3A_233 = tpu.vector_load_idx %arg5[%broadcast_in_dim3A_38, %get3A_170] : memref<8x1000xf32, #tpu.memory_space<vmem>>[vector<16xi32>, vector<16xi32>], vector<16xf32>,
        %gather3A_234 = tpu.vector_load_idx %arg5[%broadcast_in_dim3A_40, %get3A_170] : memref<8x1000xf32, #tpu.memory_space<vmem>>[vector<16xi32>, vector<16xi32>], vector<16xf32>,
        %gather3A_235 = tpu.vector_load_idx %arg5[%broadcast_in_dim3A_42, %get3A_170] : memref<8x1000xf32, #tpu.memory_space<vmem>>[vector<16xi32>, vector<16xi32>], vector<16xf32>,
        %gather3A_236 = tpu.vector_load_idx %arg5[%broadcast_in_dim3A_44, %get3A_170] : memref<8x1000xf32, #tpu.memory_space<vmem>>[vector<16xi32>, vector<16xi32>], vector<16xf32>,
        %gather3A_237 = tpu.vector_load_idx %arg5[%broadcast_in_dim3A_46, %get3A_170] : memref<8x1000xf32, #tpu.memory_space<vmem>>[vector<16xi32>, vector<16xi32>], vector<16xf32>,
        %gather3A_238 = tpu.vector_load_idx %arg5[%broadcast_in_dim3A_48, %get3A_170] : memref<8x1000xf32, #tpu.memory_space<vmem>>[vector<16xi32>, vector<16xi32>], vector<16xf32>,
        %gather3A_239 = tpu.vector_load_idx %arg5[%broadcast_in_dim3A_50, %get3A_170] : memref<8x1000xf32, #tpu.memory_space<vmem>>[vector<16xi32>, vector<16xi32>], vector<16xf32>,
        %gather3A_240 = tpu.vector_load_idx %arg5[%broadcast_in_dim3A_36, %get3A_181] : memref<8x1000xf32, #tpu.memory_space<vmem>>[vector<16xi32>, vector<16xi32>], vector<16xf32>,
        %gather3A_241 = tpu.vector_load_idx %arg5[%broadcast_in_dim3A_38, %get3A_181] : memref<8x1000xf32, #tpu.memory_space<vmem>>[vector<16xi32>, vector<16xi32>], vector<16xf32>,
        %gather3A_242 = tpu.vector_load_idx %arg5[%broadcast_in_dim3A_40, %get3A_181] : memref<8x1000xf32, #tpu.memory_space<vmem>>[vector<16xi32>, vector<16xi32>], vector<16xf32>,
        %gather3A_243 = tpu.vector_load_idx %arg5[%broadcast_in_dim3A_42, %get3A_181] : memref<8x1000xf32, #tpu.memory_space<vmem>>[vector<16xi32>, vector<16xi32>], vector<16xf32>,
        %gather3A_244 = tpu.vector_load_idx %arg5[%broadcast_in_dim3A_44, %get3A_181] : memref<8x1000xf32, #tpu.memory_space<vmem>>[vector<16xi32>, vector<16xi32>], vector<16xf32>,
        %gather3A_245 = tpu.vector_load_idx %arg5[%broadcast_in_dim3A_46, %get3A_181] : memref<8x1000xf32, #tpu.memory_space<vmem>>[vector<16xi32>, vector<16xi32>], vector<16xf32>,
        %gather3A_246 = tpu.vector_load_idx %arg5[%broadcast_in_dim3A_48, %get3A_181] : memref<8x1000xf32, #tpu.memory_space<vmem>>[vector<16xi32>, vector<16xi32>], vector<16xf32>,
        %gather3A_247 = tpu.vector_load_idx %arg5[%broadcast_in_dim3A_50, %get3A_181] : memref<8x1000xf32, #tpu.memory_space<vmem>>[vector<16xi32>, vector<16xi32>], vector<16xf32>,
        %gather3A_248 = tpu.vector_load_idx %arg5[%broadcast_in_dim3A_36, %get3A_192] : memref<8x1000xf32, #tpu.memory_space<vmem>>[vector<16xi32>, vector<16xi32>], vector<16xf32>,
        %gather3A_249 = tpu.vector_load_idx %arg5[%broadcast_in_dim3A_38, %get3A_192] : memref<8x1000xf32, #tpu.memory_space<vmem>>[vector<16xi32>, vector<16xi32>], vector<16xf32>,
        %gather3A_250 = tpu.vector_load_idx %arg5[%broadcast_in_dim3A_40, %get3A_192] : memref<8x1000xf32, #tpu.memory_space<vmem>>[vector<16xi32>, vector<16xi32>], vector<16xf32>,
        %gather3A_251 = tpu.vector_load_idx %arg5[%broadcast_in_dim3A_42, %get3A_192] : memref<8x1000xf32, #tpu.memory_space<vmem>>[vector<16xi32>, vector<16xi32>], vector<16xf32>,
        %gather3A_252 = tpu.vector_load_idx %arg5[%broadcast_in_dim3A_44, %get3A_192] : memref<8x1000xf32, #tpu.memory_space<vmem>>[vector<16xi32>, vector<16xi32>], vector<16xf32>,
        %gather3A_253 = tpu.vector_load_idx %arg5[%broadcast_in_dim3A_46, %get3A_192] : memref<8x1000xf32, #tpu.memory_space<vmem>>[vector<16xi32>, vector<16xi32>], vector<16xf32>,
        %gather3A_254 = tpu.vector_load_idx %arg5[%broadcast_in_dim3A_48, %get3A_192] : memref<8x1000xf32, #tpu.memory_space<vmem>>[vector<16xi32>, vector<16xi32>], vector<16xf32>,
        %gather3A_255 = tpu.vector_load_idx %arg5[%broadcast_in_dim3A_50, %get3A_192] : memref<8x1000xf32, #tpu.memory_space<vmem>>[vector<16xi32>, vector<16xi32>], vector<16xf32>,
        %mul3A_256 = arith.constant 8 : i32
        %mul3A_257 = arith.muli %add3A_105, %mul3A_256 : i32
        %add3A_258 = arith.constant 0 : i32
        %add3A_259 = arith.addi %mul3A_257, %add3A_258 : i32
        %mul3A_260 = arith.constant 16 : i32
        %mul3A_261 = arith.muli %add3A_259, %mul3A_260 : i32
        %swap3A = arith.constant 0 : i32
        %swap3A_262 = arith.constant 0 : i32
        %swap3A_263 = arith.index_cast %swap3A : i32 to index
        %swap3A_264 = arith.index_cast %swap3A_262 : i32 to index
        %swap3A_265 = arith.index_cast %mul3A_261 : i32 to index
        %swap3A_266 = tpu.vector_load %arg7[%swap3A_263, %swap3A_264, %swap3A_265] {strides = array<i32>} : memref<1x8x1024xf32, #tpu.memory_space<vmem>>, vector<16xf32>,
        tpu.vector_store %arg7[%swap3A_263, %swap3A_264, %swap3A_265], %gather3A {strides = array<i32>} : memref<1x8x1024xf32, #tpu.memory_space<vmem>>, vector<16xf32>,
        %swap3A_267 = arith.constant 0 : i32
        %swap3A_268 = arith.constant 1 : i32
        %swap3A_269 = arith.index_cast %swap3A_267 : i32 to index
        %swap3A_270 = arith.index_cast %swap3A_268 : i32 to index
        %swap3A_271 = arith.index_cast %mul3A_261 : i32 to index
        %swap3A_272 = tpu.vector_load %arg7[%swap3A_269, %swap3A_270, %swap3A_271] {strides = array<i32>} : memref<1x8x1024xf32, #tpu.memory_space<vmem>>, vector<16xf32>,
        tpu.vector_store %arg7[%swap3A_269, %swap3A_270, %swap3A_271], %gather3A_193 {strides = array<i32>} : memref<1x8x1024xf32, #tpu.memory_space<vmem>>, vector<16xf32>,
        %swap3A_273 = arith.constant 0 : i32
        %swap3A_274 = arith.constant 2 : i32
        %swap3A_275 = arith.index_cast %swap3A_273 : i32 to index
        %swap3A_276 = arith.index_cast %swap3A_274 : i32 to index
        %swap3A_277 = arith.index_cast %mul3A_261 : i32 to index
        %swap3A_278 = tpu.vector_load %arg7[%swap3A_275, %swap3A_276, %swap3A_277] {strides = array<i32>} : memref<1x8x1024xf32, #tpu.memory_space<vmem>>, vector<16xf32>,
        tpu.vector_store %arg7[%swap3A_275, %swap3A_276, %swap3A_277], %gather3A_194 {strides = array<i32>} : memref<1x8x1024xf32, #tpu.memory_space<vmem>>, vector<16xf32>,
        %swap3A_279 = arith.constant 0 : i32
        %swap3A_280 = arith.constant 3 : i32
        %swap3A_281 = arith.index_cast %swap3A_279 : i32 to index
        %swap3A_282 = arith.index_cast %swap3A_280 : i32 to index
        %swap3A_283 = arith.index_cast %mul3A_261 : i32 to index
        %swap3A_284 = tpu.vector_load %arg7[%swap3A_281, %swap3A_282, %swap3A_283] {strides = array<i32>} : memref<1x8x1024xf32, #tpu.memory_space<vmem>>, vector<16xf32>,
        tpu.vector_store %arg7[%swap3A_281, %swap3A_282, %swap3A_283], %gather3A_195 {strides = array<i32>} : memref<1x8x1024xf32, #tpu.memory_space<vmem>>, vector<16xf32>,
        %swap3A_285 = arith.constant 0 : i32
        %swap3A_286 = arith.constant 4 : i32
        %swap3A_287 = arith.index_cast %swap3A_285 : i32 to index
        %swap3A_288 = arith.index_cast %swap3A_286 : i32 to index
        %swap3A_289 = arith.index_cast %mul3A_261 : i32 to index
        %swap3A_290 = tpu.vector_load %arg7[%swap3A_287, %swap3A_288, %swap3A_289] {strides = array<i32>} : memref<1x8x1024xf32, #tpu.memory_space<vmem>>, vector<16xf32>,
        tpu.vector_store %arg7[%swap3A_287, %swap3A_288, %swap3A_289], %gather3A_196 {strides = array<i32>} : memref<1x8x1024xf32, #tpu.memory_space<vmem>>, vector<16xf32>,
        %swap3A_291 = arith.constant 0 : i32
        %swap3A_292 = arith.constant 5 : i32
        %swap3A_293 = arith.index_cast %swap3A_291 : i32 to index
        %swap3A_294 = arith.index_cast %swap3A_292 : i32 to index
        %swap3A_295 = arith.index_cast %mul3A_261 : i32 to index
        %swap3A_296 = tpu.vector_load %arg7[%swap3A_293, %swap3A_294, %swap3A_295] {strides = array<i32>} : memref<1x8x1024xf32, #tpu.memory_space<vmem>>, vector<16xf32>,
        tpu.vector_store %arg7[%swap3A_293, %swap3A_294, %swap3A_295], %gather3A_197 {strides = array<i32>} : memref<1x8x1024xf32, #tpu.memory_space<vmem>>, vector<16xf32>,
        %swap3A_297 = arith.constant 0 : i32
        %swap3A_298 = arith.constant 6 : i32
        %swap3A_299 = arith.index_cast %swap3A_297 : i32 to index
        %swap3A_300 = arith.index_cast %swap3A_298 : i32 to index
        %swap3A_301 = arith.index_cast %mul3A_261 : i32 to index
        %swap3A_302 = tpu.vector_load %arg7[%swap3A_299, %swap3A_300, %swap3A_301] {strides = array<i32>} : memref<1x8x1024xf32, #tpu.memory_space<vmem>>, vector<16xf32>,
        tpu.vector_store %arg7[%swap3A_299, %swap3A_300, %swap3A_301], %gather3A_198 {strides = array<i32>} : memref<1x8x1024xf32, #tpu.memory_space<vmem>>, vector<16xf32>,
        %swap3A_303 = arith.constant 0 : i32
        %swap3A_304 = arith.constant 7 : i32
        %swap3A_305 = arith.index_cast %swap3A_303 : i32 to index
        %swap3A_306 = arith.index_cast %swap3A_304 : i32 to index
        %swap3A_307 = arith.index_cast %mul3A_261 : i32 to index
        %swap3A_308 = tpu.vector_load %arg7[%swap3A_305, %swap3A_306, %swap3A_307] {strides = array<i32>} : memref<1x8x1024xf32, #tpu.memory_space<vmem>>, vector<16xf32>,
        tpu.vector_store %arg7[%swap3A_305, %swap3A_306, %swap3A_307], %gather3A_199 {strides = array<i32>} : memref<1x8x1024xf32, #tpu.memory_space<vmem>>, vector<16xf32>,
        %mul3A_309 = arith.constant 8 : i32
        %mul3A_310 = arith.muli %add3A_105, %mul3A_309 : i32
        %add3A_311 = arith.constant 1 : i32
        %add3A_312 = arith.addi %mul3A_310, %add3A_311 : i32
        %mul3A_313 = arith.constant 16 : i32
        %mul3A_314 = arith.muli %add3A_312, %mul3A_313 : i32
        %swap3A_315 = arith.constant 0 : i32
        %swap3A_316 = arith.constant 0 : i32
        %swap3A_317 = arith.index_cast %swap3A_315 : i32 to index
        %swap3A_318 = arith.index_cast %swap3A_316 : i32 to index
        %swap3A_319 = arith.index_cast %mul3A_314 : i32 to index
        %swap3A_320 = tpu.vector_load %arg7[%swap3A_317, %swap3A_318, %swap3A_319] {strides = array<i32>} : memref<1x8x1024xf32, #tpu.memory_space<vmem>>, vector<16xf32>,
        tpu.vector_store %arg7[%swap3A_317, %swap3A_318, %swap3A_319], %gather3A_200 {strides = array<i32>} : memref<1x8x1024xf32, #tpu.memory_space<vmem>>, vector<16xf32>,
        %swap3A_321 = arith.constant 0 : i32
        %swap3A_322 = arith.constant 1 : i32
        %swap3A_323 = arith.index_cast %swap3A_321 : i32 to index
        %swap3A_324 = arith.index_cast %swap3A_322 : i32 to index
        %swap3A_325 = arith.index_cast %mul3A_314 : i32 to index
        %swap3A_326 = tpu.vector_load %arg7[%swap3A_323, %swap3A_324, %swap3A_325] {strides = array<i32>} : memref<1x8x1024xf32, #tpu.memory_space<vmem>>, vector<16xf32>,
        tpu.vector_store %arg7[%swap3A_323, %swap3A_324, %swap3A_325], %gather3A_201 {strides = array<i32>} : memref<1x8x1024xf32, #tpu.memory_space<vmem>>, vector<16xf32>,
        %swap3A_327 = arith.constant 0 : i32
        %swap3A_328 = arith.constant 2 : i32
        %swap3A_329 = arith.index_cast %swap3A_327 : i32 to index
        %swap3A_330 = arith.index_cast %swap3A_328 : i32 to index
        %swap3A_331 = arith.index_cast %mul3A_314 : i32 to index
        %swap3A_332 = tpu.vector_load %arg7[%swap3A_329, %swap3A_330, %swap3A_331] {strides = array<i32>} : memref<1x8x1024xf32, #tpu.memory_space<vmem>>, vector<16xf32>,
        tpu.vector_store %arg7[%swap3A_329, %swap3A_330, %swap3A_331], %gather3A_202 {strides = array<i32>} : memref<1x8x1024xf32, #tpu.memory_space<vmem>>, vector<16xf32>,
        %swap3A_333 = arith.constant 0 : i32
        %swap3A_334 = arith.constant 3 : i32
        %swap3A_335 = arith.index_cast %swap3A_333 : i32 to index
        %swap3A_336 = arith.index_cast %swap3A_334 : i32 to index
        %swap3A_337 = arith.index_cast %mul3A_314 : i32 to index
        %swap3A_338 = tpu.vector_load %arg7[%swap3A_335, %swap3A_336, %swap3A_337] {strides = array<i32>} : memref<1x8x1024xf32, #tpu.memory_space<vmem>>, vector<16xf32>,
        tpu.vector_store %arg7[%swap3A_335, %swap3A_336, %swap3A_337], %gather3A_203 {strides = array<i32>} : memref<1x8x1024xf32, #tpu.memory_space<vmem>>, vector<16xf32>,
        %swap3A_339 = arith.constant 0 : i32
        %swap3A_340 = arith.constant 4 : i32
        %swap3A_341 = arith.index_cast %swap3A_339 : i32 to index
        %swap3A_342 = arith.index_cast %swap3A_340 : i32 to index
        %swap3A_343 = arith.index_cast %mul3A_314 : i32 to index
        %swap3A_344 = tpu.vector_load %arg7[%swap3A_341, %swap3A_342, %swap3A_343] {strides = array<i32>} : memref<1x8x1024xf32, #tpu.memory_space<vmem>>, vector<16xf32>,
        tpu.vector_store %arg7[%swap3A_341, %swap3A_342, %swap3A_343], %gather3A_204 {strides = array<i32>} : memref<1x8x1024xf32, #tpu.memory_space<vmem>>, vector<16xf32>,
        %swap3A_345 = arith.constant 0 : i32
        %swap3A_346 = arith.constant 5 : i32
        %swap3A_347 = arith.index_cast %swap3A_345 : i32 to index
        %swap3A_348 = arith.index_cast %swap3A_346 : i32 to index
        %swap3A_349 = arith.index_cast %mul3A_314 : i32 to index
        %swap3A_350 = tpu.vector_load %arg7[%swap3A_347, %swap3A_348, %swap3A_349] {strides = array<i32>} : memref<1x8x1024xf32, #tpu.memory_space<vmem>>, vector<16xf32>,
        tpu.vector_store %arg7[%swap3A_347, %swap3A_348, %swap3A_349], %gather3A_205 {strides = array<i32>} : memref<1x8x1024xf32, #tpu.memory_space<vmem>>, vector<16xf32>,
        %swap3A_351 = arith.constant 0 : i32
        %swap3A_352 = arith.constant 6 : i32
        %swap3A_353 = arith.index_cast %swap3A_351 : i32 to index
        %swap3A_354 = arith.index_cast %swap3A_352 : i32 to index
        %swap3A_355 = arith.index_cast %mul3A_314 : i32 to index
        %swap3A_356 = tpu.vector_load %arg7[%swap3A_353, %swap3A_354, %swap3A_355] {strides = array<i32>} : memref<1x8x1024xf32, #tpu.memory_space<vmem>>, vector<16xf32>,
        tpu.vector_store %arg7[%swap3A_353, %swap3A_354, %swap3A_355], %gather3A_206 {strides = array<i32>} : memref<1x8x1024xf32, #tpu.memory_space<vmem>>, vector<16xf32>,
        %swap3A_357 = arith.constant 0 : i32
        %swap3A_358 = arith.constant 7 : i32
        %swap3A_359 = arith.index_cast %swap3A_357 : i32 to index
        %swap3A_360 = arith.index_cast %swap3A_358 : i32 to index
        %swap3A_361 = arith.index_cast %mul3A_314 : i32 to index
        %swap3A_362 = tpu.vector_load %arg7[%swap3A_359, %swap3A_360, %swap3A_361] {strides = array<i32>} : memref<1x8x1024xf32, #tpu.memory_space<vmem>>, vector<16xf32>,
        tpu.vector_store %arg7[%swap3A_359, %swap3A_360, %swap3A_361], %gather3A_207 {strides = array<i32>} : memref<1x8x1024xf32, #tpu.memory_space<vmem>>, vector<16xf32>,
        %mul3A_363 = arith.constant 8 : i32
        %mul3A_364 = arith.muli %add3A_105, %mul3A_363 : i32
        %add3A_365 = arith.constant 2 : i32
        %add3A_366 = arith.addi %mul3A_364, %add3A_365 : i32
        %mul3A_367 = arith.constant 16 : i32
        %mul3A_368 = arith.muli %add3A_366, %mul3A_367 : i32
        %swap3A_369 = arith.constant 0 : i32
        %swap3A_370 = arith.constant 0 : i32
        %swap3A_371 = arith.index_cast %swap3A_369 : i32 to index
        %swap3A_372 = arith.index_cast %swap3A_370 : i32 to index
        %swap3A_373 = arith.index_cast %mul3A_368 : i32 to index
        %swap3A_374 = tpu.vector_load %arg7[%swap3A_371, %swap3A_372, %swap3A_373] {strides = array<i32>} : memref<1x8x1024xf32, #tpu.memory_space<vmem>>, vector<16xf32>,
        tpu.vector_store %arg7[%swap3A_371, %swap3A_372, %swap3A_373], %gather3A_208 {strides = array<i32>} : memref<1x8x1024xf32, #tpu.memory_space<vmem>>, vector<16xf32>,
        %swap3A_375 = arith.constant 0 : i32
        %swap3A_376 = arith.constant 1 : i32
        %swap3A_377 = arith.index_cast %swap3A_375 : i32 to index
        %swap3A_378 = arith.index_cast %swap3A_376 : i32 to index
        %swap3A_379 = arith.index_cast %mul3A_368 : i32 to index
        %swap3A_380 = tpu.vector_load %arg7[%swap3A_377, %swap3A_378, %swap3A_379] {strides = array<i32>} : memref<1x8x1024xf32, #tpu.memory_space<vmem>>, vector<16xf32>,
        tpu.vector_store %arg7[%swap3A_377, %swap3A_378, %swap3A_379], %gather3A_209 {strides = array<i32>} : memref<1x8x1024xf32, #tpu.memory_space<vmem>>, vector<16xf32>,
        %swap3A_381 = arith.constant 0 : i32
        %swap3A_382 = arith.constant 2 : i32
        %swap3A_383 = arith.index_cast %swap3A_381 : i32 to index
        %swap3A_384 = arith.index_cast %swap3A_382 : i32 to index
        %swap3A_385 = arith.index_cast %mul3A_368 : i32 to index
        %swap3A_386 = tpu.vector_load %arg7[%swap3A_383, %swap3A_384, %swap3A_385] {strides = array<i32>} : memref<1x8x1024xf32, #tpu.memory_space<vmem>>, vector<16xf32>,
        tpu.vector_store %arg7[%swap3A_383, %swap3A_384, %swap3A_385], %gather3A_210 {strides = array<i32>} : memref<1x8x1024xf32, #tpu.memory_space<vmem>>, vector<16xf32>,
        %swap3A_387 = arith.constant 0 : i32
        %swap3A_388 = arith.constant 3 : i32
        %swap3A_389 = arith.index_cast %swap3A_387 : i32 to index
        %swap3A_390 = arith.index_cast %swap3A_388 : i32 to index
        %swap3A_391 = arith.index_cast %mul3A_368 : i32 to index
        %swap3A_392 = tpu.vector_load %arg7[%swap3A_389, %swap3A_390, %swap3A_391] {strides = array<i32>} : memref<1x8x1024xf32, #tpu.memory_space<vmem>>, vector<16xf32>,
        tpu.vector_store %arg7[%swap3A_389, %swap3A_390, %swap3A_391], %gather3A_211 {strides = array<i32>} : memref<1x8x1024xf32, #tpu.memory_space<vmem>>, vector<16xf32>,
        %swap3A_393 = arith.constant 0 : i32
        %swap3A_394 = arith.constant 4 : i32
        %swap3A_395 = arith.index_cast %swap3A_393 : i32 to index
        %swap3A_396 = arith.index_cast %swap3A_394 : i32 to index
        %swap3A_397 = arith.index_cast %mul3A_368 : i32 to index
        %swap3A_398 = tpu.vector_load %arg7[%swap3A_395, %swap3A_396, %swap3A_397] {strides = array<i32>} : memref<1x8x1024xf32, #tpu.memory_space<vmem>>, vector<16xf32>,
        tpu.vector_store %arg7[%swap3A_395, %swap3A_396, %swap3A_397], %gather3A_212 {strides = array<i32>} : memref<1x8x1024xf32, #tpu.memory_space<vmem>>, vector<16xf32>,
        %swap3A_399 = arith.constant 0 : i32
        %swap3A_400 = arith.constant 5 : i32
        %swap3A_401 = arith.index_cast %swap3A_399 : i32 to index
        %swap3A_402 = arith.index_cast %swap3A_400 : i32 to index
        %swap3A_403 = arith.index_cast %mul3A_368 : i32 to index
        %swap3A_404 = tpu.vector_load %arg7[%swap3A_401, %swap3A_402, %swap3A_403] {strides = array<i32>} : memref<1x8x1024xf32, #tpu.memory_space<vmem>>, vector<16xf32>,
        tpu.vector_store %arg7[%swap3A_401, %swap3A_402, %swap3A_403], %gather3A_213 {strides = array<i32>} : memref<1x8x1024xf32, #tpu.memory_space<vmem>>, vector<16xf32>,
        %swap3A_405 = arith.constant 0 : i32
        %swap3A_406 = arith.constant 6 : i32
        %swap3A_407 = arith.index_cast %swap3A_405 : i32 to index
        %swap3A_408 = arith.index_cast %swap3A_406 : i32 to index
        %swap3A_409 = arith.index_cast %mul3A_368 : i32 to index
        %swap3A_410 = tpu.vector_load %arg7[%swap3A_407, %swap3A_408, %swap3A_409] {strides = array<i32>} : memref<1x8x1024xf32, #tpu.memory_space<vmem>>, vector<16xf32>,
        tpu.vector_store %arg7[%swap3A_407, %swap3A_408, %swap3A_409], %gather3A_214 {strides = array<i32>} : memref<1x8x1024xf32, #tpu.memory_space<vmem>>, vector<16xf32>,
        %swap3A_411 = arith.constant 0 : i32
        %swap3A_412 = arith.constant 7 : i32
        %swap3A_413 = arith.index_cast %swap3A_411 : i32 to index
        %swap3A_414 = arith.index_cast %swap3A_412 : i32 to index
        %swap3A_415 = arith.index_cast %mul3A_368 : i32 to index
        %swap3A_416 = tpu.vector_load %arg7[%swap3A_413, %swap3A_414, %swap3A_415] {strides = array<i32>} : memref<1x8x1024xf32, #tpu.memory_space<vmem>>, vector<16xf32>,
        tpu.vector_store %arg7[%swap3A_413, %swap3A_414, %swap3A_415], %gather3A_215 {strides = array<i32>} : memref<1x8x1024xf32, #tpu.memory_space<vmem>>, vector<16xf32>,
        %mul3A_417 = arith.constant 8 : i32
        %mul3A_418 = arith.muli %add3A_105, %mul3A_417 : i32
        %add3A_419 = arith.constant 3 : i32
        %add3A_420 = arith.addi %mul3A_418, %add3A_419 : i32
        %mul3A_421 = arith.constant 16 : i32
        %mul3A_422 = arith.muli %add3A_420, %mul3A_421 : i32
        %swap3A_423 = arith.constant 0 : i32
        %swap3A_424 = arith.constant 0 : i32
        %swap3A_425 = arith.index_cast %swap3A_423 : i32 to index
        %swap3A_426 = arith.index_cast %swap3A_424 : i32 to index
        %swap3A_427 = arith.index_cast %mul3A_422 : i32 to index
        %swap3A_428 = tpu.vector_load %arg7[%swap3A_425, %swap3A_426, %swap3A_427] {strides = array<i32>} : memref<1x8x1024xf32, #tpu.memory_space<vmem>>, vector<16xf32>,
        tpu.vector_store %arg7[%swap3A_425, %swap3A_426, %swap3A_427], %gather3A_216 {strides = array<i32>} : memref<1x8x1024xf32, #tpu.memory_space<vmem>>, vector<16xf32>,
        %swap3A_429 = arith.constant 0 : i32
        %swap3A_430 = arith.constant 1 : i32
        %swap3A_431 = arith.index_cast %swap3A_429 : i32 to index
        %swap3A_432 = arith.index_cast %swap3A_430 : i32 to index
        %swap3A_433 = arith.index_cast %mul3A_422 : i32 to index
        %swap3A_434 = tpu.vector_load %arg7[%swap3A_431, %swap3A_432, %swap3A_433] {strides = array<i32>} : memref<1x8x1024xf32, #tpu.memory_space<vmem>>, vector<16xf32>,
        tpu.vector_store %arg7[%swap3A_431, %swap3A_432, %swap3A_433], %gather3A_217 {strides = array<i32>} : memref<1x8x1024xf32, #tpu.memory_space<vmem>>, vector<16xf32>,
        %swap3A_435 = arith.constant 0 : i32
        %swap3A_436 = arith.constant 2 : i32
        %swap3A_437 = arith.index_cast %swap3A_435 : i32 to index
        %swap3A_438 = arith.index_cast %swap3A_436 : i32 to index
        %swap3A_439 = arith.index_cast %mul3A_422 : i32 to index
        %swap3A_440 = tpu.vector_load %arg7[%swap3A_437, %swap3A_438, %swap3A_439] {strides = array<i32>} : memref<1x8x1024xf32, #tpu.memory_space<vmem>>, vector<16xf32>,
        tpu.vector_store %arg7[%swap3A_437, %swap3A_438, %swap3A_439], %gather3A_218 {strides = array<i32>} : memref<1x8x1024xf32, #tpu.memory_space<vmem>>, vector<16xf32>,
        %swap3A_441 = arith.constant 0 : i32
        %swap3A_442 = arith.constant 3 : i32
        %swap3A_443 = arith.index_cast %swap3A_441 : i32 to index
        %swap3A_444 = arith.index_cast %swap3A_442 : i32 to index
        %swap3A_445 = arith.index_cast %mul3A_422 : i32 to index
        %swap3A_446 = tpu.vector_load %arg7[%swap3A_443, %swap3A_444, %swap3A_445] {strides = array<i32>} : memref<1x8x1024xf32, #tpu.memory_space<vmem>>, vector<16xf32>,
        tpu.vector_store %arg7[%swap3A_443, %swap3A_444, %swap3A_445], %gather3A_219 {strides = array<i32>} : memref<1x8x1024xf32, #tpu.memory_space<vmem>>, vector<16xf32>,
        %swap3A_447 = arith.constant 0 : i32
        %swap3A_448 = arith.constant 4 : i32
        %swap3A_449 = arith.index_cast %swap3A_447 : i32 to index
        %swap3A_450 = arith.index_cast %swap3A_448 : i32 to index
        %swap3A_451 = arith.index_cast %mul3A_422 : i32 to index
        %swap3A_452 = tpu.vector_load %arg7[%swap3A_449, %swap3A_450, %swap3A_451] {strides = array<i32>} : memref<1x8x1024xf32, #tpu.memory_space<vmem>>, vector<16xf32>,
        tpu.vector_store %arg7[%swap3A_449, %swap3A_450, %swap3A_451], %gather3A_220 {strides = array<i32>} : memref<1x8x1024xf32, #tpu.memory_space<vmem>>, vector<16xf32>,
        %swap3A_453 = arith.constant 0 : i32
        %swap3A_454 = arith.constant 5 : i32
        %swap3A_455 = arith.index_cast %swap3A_453 : i32 to index
        %swap3A_456 = arith.index_cast %swap3A_454 : i32 to index
        %swap3A_457 = arith.index_cast %mul3A_422 : i32 to index
        %swap3A_458 = tpu.vector_load %arg7[%swap3A_455, %swap3A_456, %swap3A_457] {strides = array<i32>} : memref<1x8x1024xf32, #tpu.memory_space<vmem>>, vector<16xf32>,
        tpu.vector_store %arg7[%swap3A_455, %swap3A_456, %swap3A_457], %gather3A_221 {strides = array<i32>} : memref<1x8x1024xf32, #tpu.memory_space<vmem>>, vector<16xf32>,
        %swap3A_459 = arith.constant 0 : i32
        %swap3A_460 = arith.constant 6 : i32
        %swap3A_461 = arith.index_cast %swap3A_459 : i32 to index
        %swap3A_462 = arith.index_cast %swap3A_460 : i32 to index
        %swap3A_463 = arith.index_cast %mul3A_422 : i32 to index
        %swap3A_464 = tpu.vector_load %arg7[%swap3A_461, %swap3A_462, %swap3A_463] {strides = array<i32>} : memref<1x8x1024xf32, #tpu.memory_space<vmem>>, vector<16xf32>,
        tpu.vector_store %arg7[%swap3A_461, %swap3A_462, %swap3A_463], %gather3A_222 {strides = array<i32>} : memref<1x8x1024xf32, #tpu.memory_space<vmem>>, vector<16xf32>,
        %swap3A_465 = arith.constant 0 : i32
        %swap3A_466 = arith.constant 7 : i32
        %swap3A_467 = arith.index_cast %swap3A_465 : i32 to index
        %swap3A_468 = arith.index_cast %swap3A_466 : i32 to index
        %swap3A_469 = arith.index_cast %mul3A_422 : i32 to index
        %swap3A_470 = tpu.vector_load %arg7[%swap3A_467, %swap3A_468, %swap3A_469] {strides = array<i32>} : memref<1x8x1024xf32, #tpu.memory_space<vmem>>, vector<16xf32>,
        tpu.vector_store %arg7[%swap3A_467, %swap3A_468, %swap3A_469], %gather3A_223 {strides = array<i32>} : memref<1x8x1024xf32, #tpu.memory_space<vmem>>, vector<16xf32>,
        %mul3A_471 = arith.constant 8 : i32
        %mul3A_472 = arith.muli %add3A_105, %mul3A_471 : i32
        %add3A_473 = arith.constant 4 : i32
        %add3A_474 = arith.addi %mul3A_472, %add3A_473 : i32
        %mul3A_475 = arith.constant 16 : i32
        %mul3A_476 = arith.muli %add3A_474, %mul3A_475 : i32
        %swap3A_477 = arith.constant 0 : i32
        %swap3A_478 = arith.constant 0 : i32
        %swap3A_479 = arith.index_cast %swap3A_477 : i32 to index
        %swap3A_480 = arith.index_cast %swap3A_478 : i32 to index
        %swap3A_481 = arith.index_cast %mul3A_476 : i32 to index
        %swap3A_482 = tpu.vector_load %arg7[%swap3A_479, %swap3A_480, %swap3A_481] {strides = array<i32>} : memref<1x8x1024xf32, #tpu.memory_space<vmem>>, vector<16xf32>,
        tpu.vector_store %arg7[%swap3A_479, %swap3A_480, %swap3A_481], %gather3A_224 {strides = array<i32>} : memref<1x8x1024xf32, #tpu.memory_space<vmem>>, vector<16xf32>,
        %swap3A_483 = arith.constant 0 : i32
        %swap3A_484 = arith.constant 1 : i32
        %swap3A_485 = arith.index_cast %swap3A_483 : i32 to index
        %swap3A_486 = arith.index_cast %swap3A_484 : i32 to index
        %swap3A_487 = arith.index_cast %mul3A_476 : i32 to index
        %swap3A_488 = tpu.vector_load %arg7[%swap3A_485, %swap3A_486, %swap3A_487] {strides = array<i32>} : memref<1x8x1024xf32, #tpu.memory_space<vmem>>, vector<16xf32>,
        tpu.vector_store %arg7[%swap3A_485, %swap3A_486, %swap3A_487], %gather3A_225 {strides = array<i32>} : memref<1x8x1024xf32, #tpu.memory_space<vmem>>, vector<16xf32>,
        %swap3A_489 = arith.constant 0 : i32
        %swap3A_490 = arith.constant 2 : i32
        %swap3A_491 = arith.index_cast %swap3A_489 : i32 to index
        %swap3A_492 = arith.index_cast %swap3A_490 : i32 to index
        %swap3A_493 = arith.index_cast %mul3A_476 : i32 to index
        %swap3A_494 = tpu.vector_load %arg7[%swap3A_491, %swap3A_492, %swap3A_493] {strides = array<i32>} : memref<1x8x1024xf32, #tpu.memory_space<vmem>>, vector<16xf32>,
        tpu.vector_store %arg7[%swap3A_491, %swap3A_492, %swap3A_493], %gather3A_226 {strides = array<i32>} : memref<1x8x1024xf32, #tpu.memory_space<vmem>>, vector<16xf32>,
        %swap3A_495 = arith.constant 0 : i32
        %swap3A_496 = arith.constant 3 : i32
        %swap3A_497 = arith.index_cast %swap3A_495 : i32 to index
        %swap3A_498 = arith.index_cast %swap3A_496 : i32 to index
        %swap3A_499 = arith.index_cast %mul3A_476 : i32 to index
        %swap3A_500 = tpu.vector_load %arg7[%swap3A_497, %swap3A_498, %swap3A_499] {strides = array<i32>} : memref<1x8x1024xf32, #tpu.memory_space<vmem>>, vector<16xf32>,
        tpu.vector_store %arg7[%swap3A_497, %swap3A_498, %swap3A_499], %gather3A_227 {strides = array<i32>} : memref<1x8x1024xf32, #tpu.memory_space<vmem>>, vector<16xf32>,
        %swap3A_501 = arith.constant 0 : i32
        %swap3A_502 = arith.constant 4 : i32
        %swap3A_503 = arith.index_cast %swap3A_501 : i32 to index
        %swap3A_504 = arith.index_cast %swap3A_502 : i32 to index
        %swap3A_505 = arith.index_cast %mul3A_476 : i32 to index
        %swap3A_506 = tpu.vector_load %arg7[%swap3A_503, %swap3A_504, %swap3A_505] {strides = array<i32>} : memref<1x8x1024xf32, #tpu.memory_space<vmem>>, vector<16xf32>,
        tpu.vector_store %arg7[%swap3A_503, %swap3A_504, %swap3A_505], %gather3A_228 {strides = array<i32>} : memref<1x8x1024xf32, #tpu.memory_space<vmem>>, vector<16xf32>,
        %swap3A_507 = arith.constant 0 : i32
        %swap3A_508 = arith.constant 5 : i32
        %swap3A_509 = arith.index_cast %swap3A_507 : i32 to index
        %swap3A_510 = arith.index_cast %swap3A_508 : i32 to index
        %swap3A_511 = arith.index_cast %mul3A_476 : i32 to index
        %swap3A_512 = tpu.vector_load %arg7[%swap3A_509, %swap3A_510, %swap3A_511] {strides = array<i32>} : memref<1x8x1024xf32, #tpu.memory_space<vmem>>, vector<16xf32>,
        tpu.vector_store %arg7[%swap3A_509, %swap3A_510, %swap3A_511], %gather3A_229 {strides = array<i32>} : memref<1x8x1024xf32, #tpu.memory_space<vmem>>, vector<16xf32>,
        %swap3A_513 = arith.constant 0 : i32
        %swap3A_514 = arith.constant 6 : i32
        %swap3A_515 = arith.index_cast %swap3A_513 : i32 to index
        %swap3A_516 = arith.index_cast %swap3A_514 : i32 to index
        %swap3A_517 = arith.index_cast %mul3A_476 : i32 to index
        %swap3A_518 = tpu.vector_load %arg7[%swap3A_515, %swap3A_516, %swap3A_517] {strides = array<i32>} : memref<1x8x1024xf32, #tpu.memory_space<vmem>>, vector<16xf32>,
        tpu.vector_store %arg7[%swap3A_515, %swap3A_516, %swap3A_517], %gather3A_230 {strides = array<i32>} : memref<1x8x1024xf32, #tpu.memory_space<vmem>>, vector<16xf32>,
        %swap3A_519 = arith.constant 0 : i32
        %swap3A_520 = arith.constant 7 : i32
        %swap3A_521 = arith.index_cast %swap3A_519 : i32 to index
        %swap3A_522 = arith.index_cast %swap3A_520 : i32 to index
        %swap3A_523 = arith.index_cast %mul3A_476 : i32 to index
        %swap3A_524 = tpu.vector_load %arg7[%swap3A_521, %swap3A_522, %swap3A_523] {strides = array<i32>} : memref<1x8x1024xf32, #tpu.memory_space<vmem>>, vector<16xf32>,
        tpu.vector_store %arg7[%swap3A_521, %swap3A_522, %swap3A_523], %gather3A_231 {strides = array<i32>} : memref<1x8x1024xf32, #tpu.memory_space<vmem>>, vector<16xf32>,
        %mul3A_525 = arith.constant 8 : i32
        %mul3A_526 = arith.muli %add3A_105, %mul3A_525 : i32
        %add3A_527 = arith.constant 5 : i32
        %add3A_528 = arith.addi %mul3A_526, %add3A_527 : i32
        %mul3A_529 = arith.constant 16 : i32
        %mul3A_530 = arith.muli %add3A_528, %mul3A_529 : i32
        %swap3A_531 = arith.constant 0 : i32
        %swap3A_532 = arith.constant 0 : i32
        %swap3A_533 = arith.index_cast %swap3A_531 : i32 to index
        %swap3A_534 = arith.index_cast %swap3A_532 : i32 to index
        %swap3A_535 = arith.index_cast %mul3A_530 : i32 to index
        %swap3A_536 = tpu.vector_load %arg7[%swap3A_533, %swap3A_534, %swap3A_535] {strides = array<i32>} : memref<1x8x1024xf32, #tpu.memory_space<vmem>>, vector<16xf32>,
        tpu.vector_store %arg7[%swap3A_533, %swap3A_534, %swap3A_535], %gather3A_232 {strides = array<i32>} : memref<1x8x1024xf32, #tpu.memory_space<vmem>>, vector<16xf32>,
        %swap3A_537 = arith.constant 0 : i32
        %swap3A_538 = arith.constant 1 : i32
        %swap3A_539 = arith.index_cast %swap3A_537 : i32 to index
        %swap3A_540 = arith.index_cast %swap3A_538 : i32 to index
        %swap3A_541 = arith.index_cast %mul3A_530 : i32 to index
        %swap3A_542 = tpu.vector_load %arg7[%swap3A_539, %swap3A_540, %swap3A_541] {strides = array<i32>} : memref<1x8x1024xf32, #tpu.memory_space<vmem>>, vector<16xf32>,
        tpu.vector_store %arg7[%swap3A_539, %swap3A_540, %swap3A_541], %gather3A_233 {strides = array<i32>} : memref<1x8x1024xf32, #tpu.memory_space<vmem>>, vector<16xf32>,
        %swap3A_543 = arith.constant 0 : i32
        %swap3A_544 = arith.constant 2 : i32
        %swap3A_545 = arith.index_cast %swap3A_543 : i32 to index
        %swap3A_546 = arith.index_cast %swap3A_544 : i32 to index
        %swap3A_547 = arith.index_cast %mul3A_530 : i32 to index
        %swap3A_548 = tpu.vector_load %arg7[%swap3A_545, %swap3A_546, %swap3A_547] {strides = array<i32>} : memref<1x8x1024xf32, #tpu.memory_space<vmem>>, vector<16xf32>,
        tpu.vector_store %arg7[%swap3A_545, %swap3A_546, %swap3A_547], %gather3A_234 {strides = array<i32>} : memref<1x8x1024xf32, #tpu.memory_space<vmem>>, vector<16xf32>,
        %swap3A_549 = arith.constant 0 : i32
        %swap3A_550 = arith.constant 3 : i32
        %swap3A_551 = arith.index_cast %swap3A_549 : i32 to index
        %swap3A_552 = arith.index_cast %swap3A_550 : i32 to index
        %swap3A_553 = arith.index_cast %mul3A_530 : i32 to index
        %swap3A_554 = tpu.vector_load %arg7[%swap3A_551, %swap3A_552, %swap3A_553] {strides = array<i32>} : memref<1x8x1024xf32, #tpu.memory_space<vmem>>, vector<16xf32>,
        tpu.vector_store %arg7[%swap3A_551, %swap3A_552, %swap3A_553], %gather3A_235 {strides = array<i32>} : memref<1x8x1024xf32, #tpu.memory_space<vmem>>, vector<16xf32>,
        %swap3A_555 = arith.constant 0 : i32
        %swap3A_556 = arith.constant 4 : i32
        %swap3A_557 = arith.index_cast %swap3A_555 : i32 to index
        %swap3A_558 = arith.index_cast %swap3A_556 : i32 to index
        %swap3A_559 = arith.index_cast %mul3A_530 : i32 to index
        %swap3A_560 = tpu.vector_load %arg7[%swap3A_557, %swap3A_558, %swap3A_559] {strides = array<i32>} : memref<1x8x1024xf32, #tpu.memory_space<vmem>>, vector<16xf32>,
        tpu.vector_store %arg7[%swap3A_557, %swap3A_558, %swap3A_559], %gather3A_236 {strides = array<i32>} : memref<1x8x1024xf32, #tpu.memory_space<vmem>>, vector<16xf32>,
        %swap3A_561 = arith.constant 0 : i32
        %swap3A_562 = arith.constant 5 : i32
        %swap3A_563 = arith.index_cast %swap3A_561 : i32 to index
        %swap3A_564 = arith.index_cast %swap3A_562 : i32 to index
        %swap3A_565 = arith.index_cast %mul3A_530 : i32 to index
        %swap3A_566 = tpu.vector_load %arg7[%swap3A_563, %swap3A_564, %swap3A_565] {strides = array<i32>} : memref<1x8x1024xf32, #tpu.memory_space<vmem>>, vector<16xf32>,
        tpu.vector_store %arg7[%swap3A_563, %swap3A_564, %swap3A_565], %gather3A_237 {strides = array<i32>} : memref<1x8x1024xf32, #tpu.memory_space<vmem>>, vector<16xf32>,
        %swap3A_567 = arith.constant 0 : i32
        %swap3A_568 = arith.constant 6 : i32
        %swap3A_569 = arith.index_cast %swap3A_567 : i32 to index
        %swap3A_570 = arith.index_cast %swap3A_568 : i32 to index
        %swap3A_571 = arith.index_cast %mul3A_530 : i32 to index
        %swap3A_572 = tpu.vector_load %arg7[%swap3A_569, %swap3A_570, %swap3A_571] {strides = array<i32>} : memref<1x8x1024xf32, #tpu.memory_space<vmem>>, vector<16xf32>,
        tpu.vector_store %arg7[%swap3A_569, %swap3A_570, %swap3A_571], %gather3A_238 {strides = array<i32>} : memref<1x8x1024xf32, #tpu.memory_space<vmem>>, vector<16xf32>,
        %swap3A_573 = arith.constant 0 : i32
        %swap3A_574 = arith.constant 7 : i32
        %swap3A_575 = arith.index_cast %swap3A_573 : i32 to index
        %swap3A_576 = arith.index_cast %swap3A_574 : i32 to index
        %swap3A_577 = arith.index_cast %mul3A_530 : i32 to index
        %swap3A_578 = tpu.vector_load %arg7[%swap3A_575, %swap3A_576, %swap3A_577] {strides = array<i32>} : memref<1x8x1024xf32, #tpu.memory_space<vmem>>, vector<16xf32>,
        tpu.vector_store %arg7[%swap3A_575, %swap3A_576, %swap3A_577], %gather3A_239 {strides = array<i32>} : memref<1x8x1024xf32, #tpu.memory_space<vmem>>, vector<16xf32>,
        %mul3A_579 = arith.constant 8 : i32
        %mul3A_580 = arith.muli %add3A_105, %mul3A_579 : i32
        %add3A_581 = arith.constant 6 : i32
        %add3A_582 = arith.addi %mul3A_580, %add3A_581 : i32
        %mul3A_583 = arith.constant 16 : i32
        %mul3A_584 = arith.muli %add3A_582, %mul3A_583 : i32
        %swap3A_585 = arith.constant 0 : i32
        %swap3A_586 = arith.constant 0 : i32
        %swap3A_587 = arith.index_cast %swap3A_585 : i32 to index
        %swap3A_588 = arith.index_cast %swap3A_586 : i32 to index
        %swap3A_589 = arith.index_cast %mul3A_584 : i32 to index
        %swap3A_590 = tpu.vector_load %arg7[%swap3A_587, %swap3A_588, %swap3A_589] {strides = array<i32>} : memref<1x8x1024xf32, #tpu.memory_space<vmem>>, vector<16xf32>,
        tpu.vector_store %arg7[%swap3A_587, %swap3A_588, %swap3A_589], %gather3A_240 {strides = array<i32>} : memref<1x8x1024xf32, #tpu.memory_space<vmem>>, vector<16xf32>,
        %swap3A_591 = arith.constant 0 : i32
        %swap3A_592 = arith.constant 1 : i32
        %swap3A_593 = arith.index_cast %swap3A_591 : i32 to index
        %swap3A_594 = arith.index_cast %swap3A_592 : i32 to index
        %swap3A_595 = arith.index_cast %mul3A_584 : i32 to index
        %swap3A_596 = tpu.vector_load %arg7[%swap3A_593, %swap3A_594, %swap3A_595] {strides = array<i32>} : memref<1x8x1024xf32, #tpu.memory_space<vmem>>, vector<16xf32>,
        tpu.vector_store %arg7[%swap3A_593, %swap3A_594, %swap3A_595], %gather3A_241 {strides = array<i32>} : memref<1x8x1024xf32, #tpu.memory_space<vmem>>, vector<16xf32>,
        %swap3A_597 = arith.constant 0 : i32
        %swap3A_598 = arith.constant 2 : i32
        %swap3A_599 = arith.index_cast %swap3A_597 : i32 to index
        %swap3A_600 = arith.index_cast %swap3A_598 : i32 to index
        %swap3A_601 = arith.index_cast %mul3A_584 : i32 to index
        %swap3A_602 = tpu.vector_load %arg7[%swap3A_599, %swap3A_600, %swap3A_601] {strides = array<i32>} : memref<1x8x1024xf32, #tpu.memory_space<vmem>>, vector<16xf32>,
        tpu.vector_store %arg7[%swap3A_599, %swap3A_600, %swap3A_601], %gather3A_242 {strides = array<i32>} : memref<1x8x1024xf32, #tpu.memory_space<vmem>>, vector<16xf32>,
        %swap3A_603 = arith.constant 0 : i32
        %swap3A_604 = arith.constant 3 : i32
        %swap3A_605 = arith.index_cast %swap3A_603 : i32 to index
        %swap3A_606 = arith.index_cast %swap3A_604 : i32 to index
        %swap3A_607 = arith.index_cast %mul3A_584 : i32 to index
        %swap3A_608 = tpu.vector_load %arg7[%swap3A_605, %swap3A_606, %swap3A_607] {strides = array<i32>} : memref<1x8x1024xf32, #tpu.memory_space<vmem>>, vector<16xf32>,
        tpu.vector_store %arg7[%swap3A_605, %swap3A_606, %swap3A_607], %gather3A_243 {strides = array<i32>} : memref<1x8x1024xf32, #tpu.memory_space<vmem>>, vector<16xf32>,
        %swap3A_609 = arith.constant 0 : i32
        %swap3A_610 = arith.constant 4 : i32
        %swap3A_611 = arith.index_cast %swap3A_609 : i32 to index
        %swap3A_612 = arith.index_cast %swap3A_610 : i32 to index
        %swap3A_613 = arith.index_cast %mul3A_584 : i32 to index
        %swap3A_614 = tpu.vector_load %arg7[%swap3A_611, %swap3A_612, %swap3A_613] {strides = array<i32>} : memref<1x8x1024xf32, #tpu.memory_space<vmem>>, vector<16xf32>,
        tpu.vector_store %arg7[%swap3A_611, %swap3A_612, %swap3A_613], %gather3A_244 {strides = array<i32>} : memref<1x8x1024xf32, #tpu.memory_space<vmem>>, vector<16xf32>,
        %swap3A_615 = arith.constant 0 : i32
        %swap3A_616 = arith.constant 5 : i32
        %swap3A_617 = arith.index_cast %swap3A_615 : i32 to index
        %swap3A_618 = arith.index_cast %swap3A_616 : i32 to index
        %swap3A_619 = arith.index_cast %mul3A_584 : i32 to index
        %swap3A_620 = tpu.vector_load %arg7[%swap3A_617, %swap3A_618, %swap3A_619] {strides = array<i32>} : memref<1x8x1024xf32, #tpu.memory_space<vmem>>, vector<16xf32>,
        tpu.vector_store %arg7[%swap3A_617, %swap3A_618, %swap3A_619], %gather3A_245 {strides = array<i32>} : memref<1x8x1024xf32, #tpu.memory_space<vmem>>, vector<16xf32>,
        %swap3A_621 = arith.constant 0 : i32
        %swap3A_622 = arith.constant 6 : i32
        %swap3A_623 = arith.index_cast %swap3A_621 : i32 to index
        %swap3A_624 = arith.index_cast %swap3A_622 : i32 to index
        %swap3A_625 = arith.index_cast %mul3A_584 : i32 to index
        %swap3A_626 = tpu.vector_load %arg7[%swap3A_623, %swap3A_624, %swap3A_625] {strides = array<i32>} : memref<1x8x1024xf32, #tpu.memory_space<vmem>>, vector<16xf32>,
        tpu.vector_store %arg7[%swap3A_623, %swap3A_624, %swap3A_625], %gather3A_246 {strides = array<i32>} : memref<1x8x1024xf32, #tpu.memory_space<vmem>>, vector<16xf32>,
        %swap3A_627 = arith.constant 0 : i32
        %swap3A_628 = arith.constant 7 : i32
        %swap3A_629 = arith.index_cast %swap3A_627 : i32 to index
        %swap3A_630 = arith.index_cast %swap3A_628 : i32 to index
        %swap3A_631 = arith.index_cast %mul3A_584 : i32 to index
        %swap3A_632 = tpu.vector_load %arg7[%swap3A_629, %swap3A_630, %swap3A_631] {strides = array<i32>} : memref<1x8x1024xf32, #tpu.memory_space<vmem>>, vector<16xf32>,
        tpu.vector_store %arg7[%swap3A_629, %swap3A_630, %swap3A_631], %gather3A_247 {strides = array<i32>} : memref<1x8x1024xf32, #tpu.memory_space<vmem>>, vector<16xf32>,
        %mul3A_633 = arith.constant 8 : i32
        %mul3A_634 = arith.muli %add3A_105, %mul3A_633 : i32
        %add3A_635 = arith.constant 7 : i32
        %add3A_636 = arith.addi %mul3A_634, %add3A_635 : i32
        %mul3A_637 = arith.constant 16 : i32
        %mul3A_638 = arith.muli %add3A_636, %mul3A_637 : i32
        %swap3A_639 = arith.constant 0 : i32
        %swap3A_640 = arith.constant 0 : i32
        %swap3A_641 = arith.index_cast %swap3A_639 : i32 to index
        %swap3A_642 = arith.index_cast %swap3A_640 : i32 to index
        %swap3A_643 = arith.index_cast %mul3A_638 : i32 to index
        %swap3A_644 = tpu.vector_load %arg7[%swap3A_641, %swap3A_642, %swap3A_643] {strides = array<i32>} : memref<1x8x1024xf32, #tpu.memory_space<vmem>>, vector<16xf32>,
        tpu.vector_store %arg7[%swap3A_641, %swap3A_642, %swap3A_643], %gather3A_248 {strides = array<i32>} : memref<1x8x1024xf32, #tpu.memory_space<vmem>>, vector<16xf32>,
        %swap3A_645 = arith.constant 0 : i32
        %swap3A_646 = arith.constant 1 : i32
        %swap3A_647 = arith.index_cast %swap3A_645 : i32 to index
        %swap3A_648 = arith.index_cast %swap3A_646 : i32 to index
        %swap3A_649 = arith.index_cast %mul3A_638 : i32 to index
        %swap3A_650 = tpu.vector_load %arg7[%swap3A_647, %swap3A_648, %swap3A_649] {strides = array<i32>} : memref<1x8x1024xf32, #tpu.memory_space<vmem>>, vector<16xf32>,
        tpu.vector_store %arg7[%swap3A_647, %swap3A_648, %swap3A_649], %gather3A_249 {strides = array<i32>} : memref<1x8x1024xf32, #tpu.memory_space<vmem>>, vector<16xf32>,
        %swap3A_651 = arith.constant 0 : i32
        %swap3A_652 = arith.constant 2 : i32
        %swap3A_653 = arith.index_cast %swap3A_651 : i32 to index
        %swap3A_654 = arith.index_cast %swap3A_652 : i32 to index
        %swap3A_655 = arith.index_cast %mul3A_638 : i32 to index
        %swap3A_656 = tpu.vector_load %arg7[%swap3A_653, %swap3A_654, %swap3A_655] {strides = array<i32>} : memref<1x8x1024xf32, #tpu.memory_space<vmem>>, vector<16xf32>,
        tpu.vector_store %arg7[%swap3A_653, %swap3A_654, %swap3A_655], %gather3A_250 {strides = array<i32>} : memref<1x8x1024xf32, #tpu.memory_space<vmem>>, vector<16xf32>,
        %swap3A_657 = arith.constant 0 : i32
        %swap3A_658 = arith.constant 3 : i32
        %swap3A_659 = arith.index_cast %swap3A_657 : i32 to index
        %swap3A_660 = arith.index_cast %swap3A_658 : i32 to index
        %swap3A_661 = arith.index_cast %mul3A_638 : i32 to index
        %swap3A_662 = tpu.vector_load %arg7[%swap3A_659, %swap3A_660, %swap3A_661] {strides = array<i32>} : memref<1x8x1024xf32, #tpu.memory_space<vmem>>, vector<16xf32>,
        tpu.vector_store %arg7[%swap3A_659, %swap3A_660, %swap3A_661], %gather3A_251 {strides = array<i32>} : memref<1x8x1024xf32, #tpu.memory_space<vmem>>, vector<16xf32>,
        %swap3A_663 = arith.constant 0 : i32
        %swap3A_664 = arith.constant 4 : i32
        %swap3A_665 = arith.index_cast %swap3A_663 : i32 to index
        %swap3A_666 = arith.index_cast %swap3A_664 : i32 to index
        %swap3A_667 = arith.index_cast %mul3A_638 : i32 to index
        %swap3A_668 = tpu.vector_load %arg7[%swap3A_665, %swap3A_666, %swap3A_667] {strides = array<i32>} : memref<1x8x1024xf32, #tpu.memory_space<vmem>>, vector<16xf32>,
        tpu.vector_store %arg7[%swap3A_665, %swap3A_666, %swap3A_667], %gather3A_252 {strides = array<i32>} : memref<1x8x1024xf32, #tpu.memory_space<vmem>>, vector<16xf32>,
        %swap3A_669 = arith.constant 0 : i32
        %swap3A_670 = arith.constant 5 : i32
        %swap3A_671 = arith.index_cast %swap3A_669 : i32 to index
        %swap3A_672 = arith.index_cast %swap3A_670 : i32 to index
        %swap3A_673 = arith.index_cast %mul3A_638 : i32 to index
        %swap3A_674 = tpu.vector_load %arg7[%swap3A_671, %swap3A_672, %swap3A_673] {strides = array<i32>} : memref<1x8x1024xf32, #tpu.memory_space<vmem>>, vector<16xf32>,
        tpu.vector_store %arg7[%swap3A_671, %swap3A_672, %swap3A_673], %gather3A_253 {strides = array<i32>} : memref<1x8x1024xf32, #tpu.memory_space<vmem>>, vector<16xf32>,
        %swap3A_675 = arith.constant 0 : i32
        %swap3A_676 = arith.constant 6 : i32
        %swap3A_677 = arith.index_cast %swap3A_675 : i32 to index
        %swap3A_678 = arith.index_cast %swap3A_676 : i32 to index
        %swap3A_679 = arith.index_cast %mul3A_638 : i32 to index
        %swap3A_680 = tpu.vector_load %arg7[%swap3A_677, %swap3A_678, %swap3A_679] {strides = array<i32>} : memref<1x8x1024xf32, #tpu.memory_space<vmem>>, vector<16xf32>,
        tpu.vector_store %arg7[%swap3A_677, %swap3A_678, %swap3A_679], %gather3A_254 {strides = array<i32>} : memref<1x8x1024xf32, #tpu.memory_space<vmem>>, vector<16xf32>,
        %swap3A_681 = arith.constant 0 : i32
        %swap3A_682 = arith.constant 7 : i32
        %swap3A_683 = arith.index_cast %swap3A_681 : i32 to index
        %swap3A_684 = arith.index_cast %swap3A_682 : i32 to index
        %swap3A_685 = arith.index_cast %mul3A_638 : i32 to index
        %swap3A_686 = tpu.vector_load %arg7[%swap3A_683, %swap3A_684, %swap3A_685] {strides = array<i32>} : memref<1x8x1024xf32, #tpu.memory_space<vmem>>, vector<16xf32>,
        tpu.vector_store %arg7[%swap3A_683, %swap3A_684, %swap3A_685], %gather3A_255 {strides = array<i32>} : memref<1x8x1024xf32, #tpu.memory_space<vmem>>, vector<16xf32>,
      }
      %scan3A_77 = arith.constant 8 : i32
      %add3A_78 = arith.addi %min3A_35, %add3A_70 : i32
      %dma_start3A = arith.constant 0 : i32
      %dma_start3A_79 = tpu.memref_slice %arg4[%add3A_78, %mul3A_11, %dma_start3A] : memref<50x64x1024xf32, #tpu.memory_space<hbm>> -> memref<1x8x1024xf32, #tpu.memory_space<hbm>>
      %dma_start3A_80 = arith.constant 0 : i32
      %dma_start3A_81 = tpu.memref_slice %arg4[%add3A_78, %mul3A_11, %dma_start3A_80] : memref<50x64x1024xf32, #tpu.memory_space<hbm>> -> memref<1x8x1024xf32, #tpu.memory_space<hbm>>
      tpu.enqueue_dma source(%arg7 : memref<1x8x1024xf32, #tpu.memory_space<vmem>>) target(%dma_start3A_81 : memref<1x8x1024xf32, #tpu.memory_space<hbm>>) target_semaphore(%arg9 : memref<!tpu.dma_semaphore, #tpu.memory_space<semaphore_mem>>)
      %ge3A_82 = arith.constant 2 : i32
      %ge3A_83 = arith.cmpi sge, %add3A_70, %ge3A_82 : i32
      %convert_element_type3A_84 = arith.extui %ge3A_83 : i1 to i32
      %cond3A_85 = arith.constant 0 : i32
      %cond3A_86 = arith.cmpi ne, %convert_element_type3A_84, %cond3A_85 : i32
      scf.if %cond3A_86 {
        %sub3A_101 = arith.constant 1 : i32
        %sub3A_102 = arith.subi %add3A_70, %sub3A_101 : i32
        %add3A_103 = arith.addi %min3A_35, %sub3A_102 : i32
        %dma_wait3A_104 = arith.constant 0 : i32
        %dma_wait3A_105 = tpu.memref_slice %arg4[%add3A_103, %mul3A_11, %dma_wait3A_104] : memref<50x64x1024xf32, #tpu.memory_space<hbm>> -> memref<1x8x1024xf32, #tpu.memory_space<hbm>>
        %dma_wait3A_106 = arith.constant 0 : i32
        %dma_wait3A_107 = tpu.memref_slice %arg4[%add3A_103, %mul3A_11, %dma_wait3A_106] : memref<50x64x1024xf32, #tpu.memory_space<hbm>> -> memref<1x8x1024xf32, #tpu.memory_space<hbm>>
        tpu.wait_dma2 semaphore(%arg10 : memref<!tpu.dma_semaphore, #tpu.memory_space<semaphore_mem>>) src(%arg8 : memref<1x8x1024xf32, #tpu.memory_space<vmem>>) dst(%dma_wait3A_107 : memref<1x8x1024xf32, #tpu.memory_space<hbm>>)
      } else {
      }
      %add3A_87 = arith.constant 1 : i32
      %add3A_88 = arith.addi %add3A_70, %add3A_87 : i32
      %scan3A_89 = arith.constant 0 : i32
      %scan3A_90 = arith.constant 8 : i32
      %scan3A_91 = arith.addi %scan3A_89, %scan3A_90 : i32
      %scan3A_92 = arith.constant 1 : i32
      scf.for %scan3A_101 = %scan3A_89 to %scan3A_91 step %scan3A_92  : i32 {
        %mul3A_102 = arith.constant 1 : i32
        %mul3A_103 = arith.muli %scan3A_101, %mul3A_102 : i32
        %add3A_104 = arith.constant 0 : i32
        %add3A_105 = arith.addi %add3A_104, %mul3A_103 : i32
        %mul3A_106 = arith.constant 8 : i32
        %mul3A_107 = arith.muli %add3A_105, %mul3A_106 : i32
        %add3A_108 = arith.constant 0 : i32
        %add3A_109 = arith.addi %mul3A_107, %add3A_108 : i32
        %mul3A_110 = arith.constant 16 : i32
        %mul3A_111 = arith.muli %add3A_109, %mul3A_110 : i32
        %get3A = arith.constant 0 : i32
        %get3A_112 = arith.index_cast %add3A_88 : i32 to index
        %get3A_113 = arith.index_cast %get3A : i32 to index
        %get3A_114 = arith.index_cast %mul3A_111 : i32 to index
        %get3A_115 = tpu.vector_load %arg6[%get3A_112, %get3A_113, %get3A_114] {strides = array<i32>} : memref<14x1x1024xi32, #tpu.memory_space<vmem>>, vector<16xi32>,
        %mul3A_116 = arith.constant 8 : i32
        %mul3A_117 = arith.muli %add3A_105, %mul3A_116 : i32
        %add3A_118 = arith.constant 1 : i32
        %add3A_119 = arith.addi %mul3A_117, %add3A_118 : i32
        %mul3A_120 = arith.constant 16 : i32
        %mul3A_121 = arith.muli %add3A_119, %mul3A_120 : i32
        %get3A_122 = arith.constant 0 : i32
        %get3A_123 = arith.index_cast %add3A_88 : i32 to index
        %get3A_124 = arith.index_cast %get3A_122 : i32 to index
        %get3A_125 = arith.index_cast %mul3A_121 : i32 to index
        %get3A_126 = tpu.vector_load %arg6[%get3A_123, %get3A_124, %get3A_125] {strides = array<i32>} : memref<14x1x1024xi32, #tpu.memory_space<vmem>>, vector<16xi32>,
        %mul3A_127 = arith.constant 8 : i32
        %mul3A_128 = arith.muli %add3A_105, %mul3A_127 : i32
        %add3A_129 = arith.constant 2 : i32
        %add3A_130 = arith.addi %mul3A_128, %add3A_129 : i32
        %mul3A_131 = arith.constant 16 : i32
        %mul3A_132 = arith.muli %add3A_130, %mul3A_131 : i32
        %get3A_133 = arith.constant 0 : i32
        %get3A_134 = arith.index_cast %add3A_88 : i32 to index
        %get3A_135 = arith.index_cast %get3A_133 : i32 to index
        %get3A_136 = arith.index_cast %mul3A_132 : i32 to index
        %get3A_137 = tpu.vector_load %arg6[%get3A_134, %get3A_135, %get3A_136] {strides = array<i32>} : memref<14x1x1024xi32, #tpu.memory_space<vmem>>, vector<16xi32>,
        %mul3A_138 = arith.constant 8 : i32
        %mul3A_139 = arith.muli %add3A_105, %mul3A_138 : i32
        %add3A_140 = arith.constant 3 : i32
        %add3A_141 = arith.addi %mul3A_139, %add3A_140 : i32
        %mul3A_142 = arith.constant 16 : i32
        %mul3A_143 = arith.muli %add3A_141, %mul3A_142 : i32
        %get3A_144 = arith.constant 0 : i32
        %get3A_145 = arith.index_cast %add3A_88 : i32 to index
        %get3A_146 = arith.index_cast %get3A_144 : i32 to index
        %get3A_147 = arith.index_cast %mul3A_143 : i32 to index
        %get3A_148 = tpu.vector_load %arg6[%get3A_145, %get3A_146, %get3A_147] {strides = array<i32>} : memref<14x1x1024xi32, #tpu.memory_space<vmem>>, vector<16xi32>,
        %mul3A_149 = arith.constant 8 : i32
        %mul3A_150 = arith.muli %add3A_105, %mul3A_149 : i32
        %add3A_151 = arith.constant 4 : i32
        %add3A_152 = arith.addi %mul3A_150, %add3A_151 : i32
        %mul3A_153 = arith.constant 16 : i32
        %mul3A_154 = arith.muli %add3A_152, %mul3A_153 : i32
        %get3A_155 = arith.constant 0 : i32
        %get3A_156 = arith.index_cast %add3A_88 : i32 to index
        %get3A_157 = arith.index_cast %get3A_155 : i32 to index
        %get3A_158 = arith.index_cast %mul3A_154 : i32 to index
        %get3A_159 = tpu.vector_load %arg6[%get3A_156, %get3A_157, %get3A_158] {strides = array<i32>} : memref<14x1x1024xi32, #tpu.memory_space<vmem>>, vector<16xi32>,
        %mul3A_160 = arith.constant 8 : i32
        %mul3A_161 = arith.muli %add3A_105, %mul3A_160 : i32
        %add3A_162 = arith.constant 5 : i32
        %add3A_163 = arith.addi %mul3A_161, %add3A_162 : i32
        %mul3A_164 = arith.constant 16 : i32
        %mul3A_165 = arith.muli %add3A_163, %mul3A_164 : i32
        %get3A_166 = arith.constant 0 : i32
        %get3A_167 = arith.index_cast %add3A_88 : i32 to index
        %get3A_168 = arith.index_cast %get3A_166 : i32 to index
        %get3A_169 = arith.index_cast %mul3A_165 : i32 to index
        %get3A_170 = tpu.vector_load %arg6[%get3A_167, %get3A_168, %get3A_169] {strides = array<i32>} : memref<14x1x1024xi32, #tpu.memory_space<vmem>>, vector<16xi32>,
        %mul3A_171 = arith.constant 8 : i32
        %mul3A_172 = arith.muli %add3A_105, %mul3A_171 : i32
        %add3A_173 = arith.constant 6 : i32
        %add3A_174 = arith.addi %mul3A_172, %add3A_173 : i32
        %mul3A_175 = arith.constant 16 : i32
        %mul3A_176 = arith.muli %add3A_174, %mul3A_175 : i32
        %get3A_177 = arith.constant 0 : i32
        %get3A_178 = arith.index_cast %add3A_88 : i32 to index
        %get3A_179 = arith.index_cast %get3A_177 : i32 to index
        %get3A_180 = arith.index_cast %mul3A_176 : i32 to index
        %get3A_181 = tpu.vector_load %arg6[%get3A_178, %get3A_179, %get3A_180] {strides = array<i32>} : memref<14x1x1024xi32, #tpu.memory_space<vmem>>, vector<16xi32>,
        %mul3A_182 = arith.constant 8 : i32
        %mul3A_183 = arith.muli %add3A_105, %mul3A_182 : i32
        %add3A_184 = arith.constant 7 : i32
        %add3A_185 = arith.addi %mul3A_183, %add3A_184 : i32
        %mul3A_186 = arith.constant 16 : i32
        %mul3A_187 = arith.muli %add3A_185, %mul3A_186 : i32
        %get3A_188 = arith.constant 0 : i32
        %get3A_189 = arith.index_cast %add3A_88 : i32 to index
        %get3A_190 = arith.index_cast %get3A_188 : i32 to index
        %get3A_191 = arith.index_cast %mul3A_187 : i32 to index
        %get3A_192 = tpu.vector_load %arg6[%get3A_189, %get3A_190, %get3A_191] {strides = array<i32>} : memref<14x1x1024xi32, #tpu.memory_space<vmem>>, vector<16xi32>,
        %gather3A = tpu.vector_load_idx %arg5[%broadcast_in_dim3A_36, %get3A_115] : memref<8x1000xf32, #tpu.memory_space<vmem>>[vector<16xi32>, vector<16xi32>], vector<16xf32>,
        %gather3A_193 = tpu.vector_load_idx %arg5[%broadcast_in_dim3A_38, %get3A_115] : memref<8x1000xf32, #tpu.memory_space<vmem>>[vector<16xi32>, vector<16xi32>], vector<16xf32>,
        %gather3A_194 = tpu.vector_load_idx %arg5[%broadcast_in_dim3A_40, %get3A_115] : memref<8x1000xf32, #tpu.memory_space<vmem>>[vector<16xi32>, vector<16xi32>], vector<16xf32>,
        %gather3A_195 = tpu.vector_load_idx %arg5[%broadcast_in_dim3A_42, %get3A_115] : memref<8x1000xf32, #tpu.memory_space<vmem>>[vector<16xi32>, vector<16xi32>], vector<16xf32>,
        %gather3A_196 = tpu.vector_load_idx %arg5[%broadcast_in_dim3A_44, %get3A_115] : memref<8x1000xf32, #tpu.memory_space<vmem>>[vector<16xi32>, vector<16xi32>], vector<16xf32>,
        %gather3A_197 = tpu.vector_load_idx %arg5[%broadcast_in_dim3A_46, %get3A_115] : memref<8x1000xf32, #tpu.memory_space<vmem>>[vector<16xi32>, vector<16xi32>], vector<16xf32>,
        %gather3A_198 = tpu.vector_load_idx %arg5[%broadcast_in_dim3A_48, %get3A_115] : memref<8x1000xf32, #tpu.memory_space<vmem>>[vector<16xi32>, vector<16xi32>], vector<16xf32>,
        %gather3A_199 = tpu.vector_load_idx %arg5[%broadcast_in_dim3A_50, %get3A_115] : memref<8x1000xf32, #tpu.memory_space<vmem>>[vector<16xi32>, vector<16xi32>], vector<16xf32>,
        %gather3A_200 = tpu.vector_load_idx %arg5[%broadcast_in_dim3A_36, %get3A_126] : memref<8x1000xf32, #tpu.memory_space<vmem>>[vector<16xi32>, vector<16xi32>], vector<16xf32>,
        %gather3A_201 = tpu.vector_load_idx %arg5[%broadcast_in_dim3A_38, %get3A_126] : memref<8x1000xf32, #tpu.memory_space<vmem>>[vector<16xi32>, vector<16xi32>], vector<16xf32>,
        %gather3A_202 = tpu.vector_load_idx %arg5[%broadcast_in_dim3A_40, %get3A_126] : memref<8x1000xf32, #tpu.memory_space<vmem>>[vector<16xi32>, vector<16xi32>], vector<16xf32>,
        %gather3A_203 = tpu.vector_load_idx %arg5[%broadcast_in_dim3A_42, %get3A_126] : memref<8x1000xf32, #tpu.memory_space<vmem>>[vector<16xi32>, vector<16xi32>], vector<16xf32>,
        %gather3A_204 = tpu.vector_load_idx %arg5[%broadcast_in_dim3A_44, %get3A_126] : memref<8x1000xf32, #tpu.memory_space<vmem>>[vector<16xi32>, vector<16xi32>], vector<16xf32>,
        %gather3A_205 = tpu.vector_load_idx %arg5[%broadcast_in_dim3A_46, %get3A_126] : memref<8x1000xf32, #tpu.memory_space<vmem>>[vector<16xi32>, vector<16xi32>], vector<16xf32>,
        %gather3A_206 = tpu.vector_load_idx %arg5[%broadcast_in_dim3A_48, %get3A_126] : memref<8x1000xf32, #tpu.memory_space<vmem>>[vector<16xi32>, vector<16xi32>], vector<16xf32>,
        %gather3A_207 = tpu.vector_load_idx %arg5[%broadcast_in_dim3A_50, %get3A_126] : memref<8x1000xf32, #tpu.memory_space<vmem>>[vector<16xi32>, vector<16xi32>], vector<16xf32>,
        %gather3A_208 = tpu.vector_load_idx %arg5[%broadcast_in_dim3A_36, %get3A_137] : memref<8x1000xf32, #tpu.memory_space<vmem>>[vector<16xi32>, vector<16xi32>], vector<16xf32>,
        %gather3A_209 = tpu.vector_load_idx %arg5[%broadcast_in_dim3A_38, %get3A_137] : memref<8x1000xf32, #tpu.memory_space<vmem>>[vector<16xi32>, vector<16xi32>], vector<16xf32>,
        %gather3A_210 = tpu.vector_load_idx %arg5[%broadcast_in_dim3A_40, %get3A_137] : memref<8x1000xf32, #tpu.memory_space<vmem>>[vector<16xi32>, vector<16xi32>], vector<16xf32>,
        %gather3A_211 = tpu.vector_load_idx %arg5[%broadcast_in_dim3A_42, %get3A_137] : memref<8x1000xf32, #tpu.memory_space<vmem>>[vector<16xi32>, vector<16xi32>], vector<16xf32>,
        %gather3A_212 = tpu.vector_load_idx %arg5[%broadcast_in_dim3A_44, %get3A_137] : memref<8x1000xf32, #tpu.memory_space<vmem>>[vector<16xi32>, vector<16xi32>], vector<16xf32>,
        %gather3A_213 = tpu.vector_load_idx %arg5[%broadcast_in_dim3A_46, %get3A_137] : memref<8x1000xf32, #tpu.memory_space<vmem>>[vector<16xi32>, vector<16xi32>], vector<16xf32>,
        %gather3A_214 = tpu.vector_load_idx %arg5[%broadcast_in_dim3A_48, %get3A_137] : memref<8x1000xf32, #tpu.memory_space<vmem>>[vector<16xi32>, vector<16xi32>], vector<16xf32>,
        %gather3A_215 = tpu.vector_load_idx %arg5[%broadcast_in_dim3A_50, %get3A_137] : memref<8x1000xf32, #tpu.memory_space<vmem>>[vector<16xi32>, vector<16xi32>], vector<16xf32>,
        %gather3A_216 = tpu.vector_load_idx %arg5[%broadcast_in_dim3A_36, %get3A_148] : memref<8x1000xf32, #tpu.memory_space<vmem>>[vector<16xi32>, vector<16xi32>], vector<16xf32>,
        %gather3A_217 = tpu.vector_load_idx %arg5[%broadcast_in_dim3A_38, %get3A_148] : memref<8x1000xf32, #tpu.memory_space<vmem>>[vector<16xi32>, vector<16xi32>], vector<16xf32>,
        %gather3A_218 = tpu.vector_load_idx %arg5[%broadcast_in_dim3A_40, %get3A_148] : memref<8x1000xf32, #tpu.memory_space<vmem>>[vector<16xi32>, vector<16xi32>], vector<16xf32>,
        %gather3A_219 = tpu.vector_load_idx %arg5[%broadcast_in_dim3A_42, %get3A_148] : memref<8x1000xf32, #tpu.memory_space<vmem>>[vector<16xi32>, vector<16xi32>], vector<16xf32>,
        %gather3A_220 = tpu.vector_load_idx %arg5[%broadcast_in_dim3A_44, %get3A_148] : memref<8x1000xf32, #tpu.memory_space<vmem>>[vector<16xi32>, vector<16xi32>], vector<16xf32>,
        %gather3A_221 = tpu.vector_load_idx %arg5[%broadcast_in_dim3A_46, %get3A_148] : memref<8x1000xf32, #tpu.memory_space<vmem>>[vector<16xi32>, vector<16xi32>], vector<16xf32>,
        %gather3A_222 = tpu.vector_load_idx %arg5[%broadcast_in_dim3A_48, %get3A_148] : memref<8x1000xf32, #tpu.memory_space<vmem>>[vector<16xi32>, vector<16xi32>], vector<16xf32>,
        %gather3A_223 = tpu.vector_load_idx %arg5[%broadcast_in_dim3A_50, %get3A_148] : memref<8x1000xf32, #tpu.memory_space<vmem>>[vector<16xi32>, vector<16xi32>], vector<16xf32>,
        %gather3A_224 = tpu.vector_load_idx %arg5[%broadcast_in_dim3A_36, %get3A_159] : memref<8x1000xf32, #tpu.memory_space<vmem>>[vector<16xi32>, vector<16xi32>], vector<16xf32>,
        %gather3A_225 = tpu.vector_load_idx %arg5[%broadcast_in_dim3A_38, %get3A_159] : memref<8x1000xf32, #tpu.memory_space<vmem>>[vector<16xi32>, vector<16xi32>], vector<16xf32>,
        %gather3A_226 = tpu.vector_load_idx %arg5[%broadcast_in_dim3A_40, %get3A_159] : memref<8x1000xf32, #tpu.memory_space<vmem>>[vector<16xi32>, vector<16xi32>], vector<16xf32>,
        %gather3A_227 = tpu.vector_load_idx %arg5[%broadcast_in_dim3A_42, %get3A_159] : memref<8x1000xf32, #tpu.memory_space<vmem>>[vector<16xi32>, vector<16xi32>], vector<16xf32>,
        %gather3A_228 = tpu.vector_load_idx %arg5[%broadcast_in_dim3A_44, %get3A_159] : memref<8x1000xf32, #tpu.memory_space<vmem>>[vector<16xi32>, vector<16xi32>], vector<16xf32>,
        %gather3A_229 = tpu.vector_load_idx %arg5[%broadcast_in_dim3A_46, %get3A_159] : memref<8x1000xf32, #tpu.memory_space<vmem>>[vector<16xi32>, vector<16xi32>], vector<16xf32>,
        %gather3A_230 = tpu.vector_load_idx %arg5[%broadcast_in_dim3A_48, %get3A_159] : memref<8x1000xf32, #tpu.memory_space<vmem>>[vector<16xi32>, vector<16xi32>], vector<16xf32>,
        %gather3A_231 = tpu.vector_load_idx %arg5[%broadcast_in_dim3A_50, %get3A_159] : memref<8x1000xf32, #tpu.memory_space<vmem>>[vector<16xi32>, vector<16xi32>], vector<16xf32>,
        %gather3A_232 = tpu.vector_load_idx %arg5[%broadcast_in_dim3A_36, %get3A_170] : memref<8x1000xf32, #tpu.memory_space<vmem>>[vector<16xi32>, vector<16xi32>], vector<16xf32>,
        %gather3A_233 = tpu.vector_load_idx %arg5[%broadcast_in_dim3A_38, %get3A_170] : memref<8x1000xf32, #tpu.memory_space<vmem>>[vector<16xi32>, vector<16xi32>], vector<16xf32>,
        %gather3A_234 = tpu.vector_load_idx %arg5[%broadcast_in_dim3A_40, %get3A_170] : memref<8x1000xf32, #tpu.memory_space<vmem>>[vector<16xi32>, vector<16xi32>], vector<16xf32>,
        %gather3A_235 = tpu.vector_load_idx %arg5[%broadcast_in_dim3A_42, %get3A_170] : memref<8x1000xf32, #tpu.memory_space<vmem>>[vector<16xi32>, vector<16xi32>], vector<16xf32>,
        %gather3A_236 = tpu.vector_load_idx %arg5[%broadcast_in_dim3A_44, %get3A_170] : memref<8x1000xf32, #tpu.memory_space<vmem>>[vector<16xi32>, vector<16xi32>], vector<16xf32>,
        %gather3A_237 = tpu.vector_load_idx %arg5[%broadcast_in_dim3A_46, %get3A_170] : memref<8x1000xf32, #tpu.memory_space<vmem>>[vector<16xi32>, vector<16xi32>], vector<16xf32>,
        %gather3A_238 = tpu.vector_load_idx %arg5[%broadcast_in_dim3A_48, %get3A_170] : memref<8x1000xf32, #tpu.memory_space<vmem>>[vector<16xi32>, vector<16xi32>], vector<16xf32>,
        %gather3A_239 = tpu.vector_load_idx %arg5[%broadcast_in_dim3A_50, %get3A_170] : memref<8x1000xf32, #tpu.memory_space<vmem>>[vector<16xi32>, vector<16xi32>], vector<16xf32>,
        %gather3A_240 = tpu.vector_load_idx %arg5[%broadcast_in_dim3A_36, %get3A_181] : memref<8x1000xf32, #tpu.memory_space<vmem>>[vector<16xi32>, vector<16xi32>], vector<16xf32>,
        %gather3A_241 = tpu.vector_load_idx %arg5[%broadcast_in_dim3A_38, %get3A_181] : memref<8x1000xf32, #tpu.memory_space<vmem>>[vector<16xi32>, vector<16xi32>], vector<16xf32>,
        %gather3A_242 = tpu.vector_load_idx %arg5[%broadcast_in_dim3A_40, %get3A_181] : memref<8x1000xf32, #tpu.memory_space<vmem>>[vector<16xi32>, vector<16xi32>], vector<16xf32>,
        %gather3A_243 = tpu.vector_load_idx %arg5[%broadcast_in_dim3A_42, %get3A_181] : memref<8x1000xf32, #tpu.memory_space<vmem>>[vector<16xi32>, vector<16xi32>], vector<16xf32>,
        %gather3A_244 = tpu.vector_load_idx %arg5[%broadcast_in_dim3A_44, %get3A_181] : memref<8x1000xf32, #tpu.memory_space<vmem>>[vector<16xi32>, vector<16xi32>], vector<16xf32>,
        %gather3A_245 = tpu.vector_load_idx %arg5[%broadcast_in_dim3A_46, %get3A_181] : memref<8x1000xf32, #tpu.memory_space<vmem>>[vector<16xi32>, vector<16xi32>], vector<16xf32>,
        %gather3A_246 = tpu.vector_load_idx %arg5[%broadcast_in_dim3A_48, %get3A_181] : memref<8x1000xf32, #tpu.memory_space<vmem>>[vector<16xi32>, vector<16xi32>], vector<16xf32>,
        %gather3A_247 = tpu.vector_load_idx %arg5[%broadcast_in_dim3A_50, %get3A_181] : memref<8x1000xf32, #tpu.memory_space<vmem>>[vector<16xi32>, vector<16xi32>], vector<16xf32>,
        %gather3A_248 = tpu.vector_load_idx %arg5[%broadcast_in_dim3A_36, %get3A_192] : memref<8x1000xf32, #tpu.memory_space<vmem>>[vector<16xi32>, vector<16xi32>], vector<16xf32>,
        %gather3A_249 = tpu.vector_load_idx %arg5[%broadcast_in_dim3A_38, %get3A_192] : memref<8x1000xf32, #tpu.memory_space<vmem>>[vector<16xi32>, vector<16xi32>], vector<16xf32>,
        %gather3A_250 = tpu.vector_load_idx %arg5[%broadcast_in_dim3A_40, %get3A_192] : memref<8x1000xf32, #tpu.memory_space<vmem>>[vector<16xi32>, vector<16xi32>], vector<16xf32>,
        %gather3A_251 = tpu.vector_load_idx %arg5[%broadcast_in_dim3A_42, %get3A_192] : memref<8x1000xf32, #tpu.memory_space<vmem>>[vector<16xi32>, vector<16xi32>], vector<16xf32>,
        %gather3A_252 = tpu.vector_load_idx %arg5[%broadcast_in_dim3A_44, %get3A_192] : memref<8x1000xf32, #tpu.memory_space<vmem>>[vector<16xi32>, vector<16xi32>], vector<16xf32>,
        %gather3A_253 = tpu.vector_load_idx %arg5[%broadcast_in_dim3A_46, %get3A_192] : memref<8x1000xf32, #tpu.memory_space<vmem>>[vector<16xi32>, vector<16xi32>], vector<16xf32>,
        %gather3A_254 = tpu.vector_load_idx %arg5[%broadcast_in_dim3A_48, %get3A_192] : memref<8x1000xf32, #tpu.memory_space<vmem>>[vector<16xi32>, vector<16xi32>], vector<16xf32>,
        %gather3A_255 = tpu.vector_load_idx %arg5[%broadcast_in_dim3A_50, %get3A_192] : memref<8x1000xf32, #tpu.memory_space<vmem>>[vector<16xi32>, vector<16xi32>], vector<16xf32>,
        %mul3A_256 = arith.constant 8 : i32
        %mul3A_257 = arith.muli %add3A_105, %mul3A_256 : i32
        %add3A_258 = arith.constant 0 : i32
        %add3A_259 = arith.addi %mul3A_257, %add3A_258 : i32
        %mul3A_260 = arith.constant 16 : i32
        %mul3A_261 = arith.muli %add3A_259, %mul3A_260 : i32
        %swap3A = arith.constant 0 : i32
        %swap3A_262 = arith.constant 0 : i32
        %swap3A_263 = arith.index_cast %swap3A : i32 to index
        %swap3A_264 = arith.index_cast %swap3A_262 : i32 to index
        %swap3A_265 = arith.index_cast %mul3A_261 : i32 to index
        %swap3A_266 = tpu.vector_load %arg8[%swap3A_263, %swap3A_264, %swap3A_265] {strides = array<i32>} : memref<1x8x1024xf32, #tpu.memory_space<vmem>>, vector<16xf32>,
        tpu.vector_store %arg8[%swap3A_263, %swap3A_264, %swap3A_265], %gather3A {strides = array<i32>} : memref<1x8x1024xf32, #tpu.memory_space<vmem>>, vector<16xf32>,
        %swap3A_267 = arith.constant 0 : i32
        %swap3A_268 = arith.constant 1 : i32
        %swap3A_269 = arith.index_cast %swap3A_267 : i32 to index
        %swap3A_270 = arith.index_cast %swap3A_268 : i32 to index
        %swap3A_271 = arith.index_cast %mul3A_261 : i32 to index
        %swap3A_272 = tpu.vector_load %arg8[%swap3A_269, %swap3A_270, %swap3A_271] {strides = array<i32>} : memref<1x8x1024xf32, #tpu.memory_space<vmem>>, vector<16xf32>,
        tpu.vector_store %arg8[%swap3A_269, %swap3A_270, %swap3A_271], %gather3A_193 {strides = array<i32>} : memref<1x8x1024xf32, #tpu.memory_space<vmem>>, vector<16xf32>,
        %swap3A_273 = arith.constant 0 : i32
        %swap3A_274 = arith.constant 2 : i32
        %swap3A_275 = arith.index_cast %swap3A_273 : i32 to index
        %swap3A_276 = arith.index_cast %swap3A_274 : i32 to index
        %swap3A_277 = arith.index_cast %mul3A_261 : i32 to index
        %swap3A_278 = tpu.vector_load %arg8[%swap3A_275, %swap3A_276, %swap3A_277] {strides = array<i32>} : memref<1x8x1024xf32, #tpu.memory_space<vmem>>, vector<16xf32>,
        tpu.vector_store %arg8[%swap3A_275, %swap3A_276, %swap3A_277], %gather3A_194 {strides = array<i32>} : memref<1x8x1024xf32, #tpu.memory_space<vmem>>, vector<16xf32>,
        %swap3A_279 = arith.constant 0 : i32
        %swap3A_280 = arith.constant 3 : i32
        %swap3A_281 = arith.index_cast %swap3A_279 : i32 to index
        %swap3A_282 = arith.index_cast %swap3A_280 : i32 to index
        %swap3A_283 = arith.index_cast %mul3A_261 : i32 to index
        %swap3A_284 = tpu.vector_load %arg8[%swap3A_281, %swap3A_282, %swap3A_283] {strides = array<i32>} : memref<1x8x1024xf32, #tpu.memory_space<vmem>>, vector<16xf32>,
        tpu.vector_store %arg8[%swap3A_281, %swap3A_282, %swap3A_283], %gather3A_195 {strides = array<i32>} : memref<1x8x1024xf32, #tpu.memory_space<vmem>>, vector<16xf32>,
        %swap3A_285 = arith.constant 0 : i32
        %swap3A_286 = arith.constant 4 : i32
        %swap3A_287 = arith.index_cast %swap3A_285 : i32 to index
        %swap3A_288 = arith.index_cast %swap3A_286 : i32 to index
        %swap3A_289 = arith.index_cast %mul3A_261 : i32 to index
        %swap3A_290 = tpu.vector_load %arg8[%swap3A_287, %swap3A_288, %swap3A_289] {strides = array<i32>} : memref<1x8x1024xf32, #tpu.memory_space<vmem>>, vector<16xf32>,
        tpu.vector_store %arg8[%swap3A_287, %swap3A_288, %swap3A_289], %gather3A_196 {strides = array<i32>} : memref<1x8x1024xf32, #tpu.memory_space<vmem>>, vector<16xf32>,
        %swap3A_291 = arith.constant 0 : i32
        %swap3A_292 = arith.constant 5 : i32
        %swap3A_293 = arith.index_cast %swap3A_291 : i32 to index
        %swap3A_294 = arith.index_cast %swap3A_292 : i32 to index
        %swap3A_295 = arith.index_cast %mul3A_261 : i32 to index
        %swap3A_296 = tpu.vector_load %arg8[%swap3A_293, %swap3A_294, %swap3A_295] {strides = array<i32>} : memref<1x8x1024xf32, #tpu.memory_space<vmem>>, vector<16xf32>,
        tpu.vector_store %arg8[%swap3A_293, %swap3A_294, %swap3A_295], %gather3A_197 {strides = array<i32>} : memref<1x8x1024xf32, #tpu.memory_space<vmem>>, vector<16xf32>,
        %swap3A_297 = arith.constant 0 : i32
        %swap3A_298 = arith.constant 6 : i32
        %swap3A_299 = arith.index_cast %swap3A_297 : i32 to index
        %swap3A_300 = arith.index_cast %swap3A_298 : i32 to index
        %swap3A_301 = arith.index_cast %mul3A_261 : i32 to index
        %swap3A_302 = tpu.vector_load %arg8[%swap3A_299, %swap3A_300, %swap3A_301] {strides = array<i32>} : memref<1x8x1024xf32, #tpu.memory_space<vmem>>, vector<16xf32>,
        tpu.vector_store %arg8[%swap3A_299, %swap3A_300, %swap3A_301], %gather3A_198 {strides = array<i32>} : memref<1x8x1024xf32, #tpu.memory_space<vmem>>, vector<16xf32>,
        %swap3A_303 = arith.constant 0 : i32
        %swap3A_304 = arith.constant 7 : i32
        %swap3A_305 = arith.index_cast %swap3A_303 : i32 to index
        %swap3A_306 = arith.index_cast %swap3A_304 : i32 to index
        %swap3A_307 = arith.index_cast %mul3A_261 : i32 to index
        %swap3A_308 = tpu.vector_load %arg8[%swap3A_305, %swap3A_306, %swap3A_307] {strides = array<i32>} : memref<1x8x1024xf32, #tpu.memory_space<vmem>>, vector<16xf32>,
        tpu.vector_store %arg8[%swap3A_305, %swap3A_306, %swap3A_307], %gather3A_199 {strides = array<i32>} : memref<1x8x1024xf32, #tpu.memory_space<vmem>>, vector<16xf32>,
        %mul3A_309 = arith.constant 8 : i32
        %mul3A_310 = arith.muli %add3A_105, %mul3A_309 : i32
        %add3A_311 = arith.constant 1 : i32
        %add3A_312 = arith.addi %mul3A_310, %add3A_311 : i32
        %mul3A_313 = arith.constant 16 : i32
        %mul3A_314 = arith.muli %add3A_312, %mul3A_313 : i32
        %swap3A_315 = arith.constant 0 : i32
        %swap3A_316 = arith.constant 0 : i32
        %swap3A_317 = arith.index_cast %swap3A_315 : i32 to index
        %swap3A_318 = arith.index_cast %swap3A_316 : i32 to index
        %swap3A_319 = arith.index_cast %mul3A_314 : i32 to index
        %swap3A_320 = tpu.vector_load %arg8[%swap3A_317, %swap3A_318, %swap3A_319] {strides = array<i32>} : memref<1x8x1024xf32, #tpu.memory_space<vmem>>, vector<16xf32>,
        tpu.vector_store %arg8[%swap3A_317, %swap3A_318, %swap3A_319], %gather3A_200 {strides = array<i32>} : memref<1x8x1024xf32, #tpu.memory_space<vmem>>, vector<16xf32>,
        %swap3A_321 = arith.constant 0 : i32
        %swap3A_322 = arith.constant 1 : i32
        %swap3A_323 = arith.index_cast %swap3A_321 : i32 to index
        %swap3A_324 = arith.index_cast %swap3A_322 : i32 to index
        %swap3A_325 = arith.index_cast %mul3A_314 : i32 to index
        %swap3A_326 = tpu.vector_load %arg8[%swap3A_323, %swap3A_324, %swap3A_325] {strides = array<i32>} : memref<1x8x1024xf32, #tpu.memory_space<vmem>>, vector<16xf32>,
        tpu.vector_store %arg8[%swap3A_323, %swap3A_324, %swap3A_325], %gather3A_201 {strides = array<i32>} : memref<1x8x1024xf32, #tpu.memory_space<vmem>>, vector<16xf32>,
        %swap3A_327 = arith.constant 0 : i32
        %swap3A_328 = arith.constant 2 : i32
        %swap3A_329 = arith.index_cast %swap3A_327 : i32 to index
        %swap3A_330 = arith.index_cast %swap3A_328 : i32 to index
        %swap3A_331 = arith.index_cast %mul3A_314 : i32 to index
        %swap3A_332 = tpu.vector_load %arg8[%swap3A_329, %swap3A_330, %swap3A_331] {strides = array<i32>} : memref<1x8x1024xf32, #tpu.memory_space<vmem>>, vector<16xf32>,
        tpu.vector_store %arg8[%swap3A_329, %swap3A_330, %swap3A_331], %gather3A_202 {strides = array<i32>} : memref<1x8x1024xf32, #tpu.memory_space<vmem>>, vector<16xf32>,
        %swap3A_333 = arith.constant 0 : i32
        %swap3A_334 = arith.constant 3 : i32
        %swap3A_335 = arith.index_cast %swap3A_333 : i32 to index
        %swap3A_336 = arith.index_cast %swap3A_334 : i32 to index
        %swap3A_337 = arith.index_cast %mul3A_314 : i32 to index
        %swap3A_338 = tpu.vector_load %arg8[%swap3A_335, %swap3A_336, %swap3A_337] {strides = array<i32>} : memref<1x8x1024xf32, #tpu.memory_space<vmem>>, vector<16xf32>,
        tpu.vector_store %arg8[%swap3A_335, %swap3A_336, %swap3A_337], %gather3A_203 {strides = array<i32>} : memref<1x8x1024xf32, #tpu.memory_space<vmem>>, vector<16xf32>,
        %swap3A_339 = arith.constant 0 : i32
        %swap3A_340 = arith.constant 4 : i32
        %swap3A_341 = arith.index_cast %swap3A_339 : i32 to index
        %swap3A_342 = arith.index_cast %swap3A_340 : i32 to index
        %swap3A_343 = arith.index_cast %mul3A_314 : i32 to index
        %swap3A_344 = tpu.vector_load %arg8[%swap3A_341, %swap3A_342, %swap3A_343] {strides = array<i32>} : memref<1x8x1024xf32, #tpu.memory_space<vmem>>, vector<16xf32>,
        tpu.vector_store %arg8[%swap3A_341, %swap3A_342, %swap3A_343], %gather3A_204 {strides = array<i32>} : memref<1x8x1024xf32, #tpu.memory_space<vmem>>, vector<16xf32>,
        %swap3A_345 = arith.constant 0 : i32
        %swap3A_346 = arith.constant 5 : i32
        %swap3A_347 = arith.index_cast %swap3A_345 : i32 to index
        %swap3A_348 = arith.index_cast %swap3A_346 : i32 to index
        %swap3A_349 = arith.index_cast %mul3A_314 : i32 to index
        %swap3A_350 = tpu.vector_load %arg8[%swap3A_347, %swap3A_348, %swap3A_349] {strides = array<i32>} : memref<1x8x1024xf32, #tpu.memory_space<vmem>>, vector<16xf32>,
        tpu.vector_store %arg8[%swap3A_347, %swap3A_348, %swap3A_349], %gather3A_205 {strides = array<i32>} : memref<1x8x1024xf32, #tpu.memory_space<vmem>>, vector<16xf32>,
        %swap3A_351 = arith.constant 0 : i32
        %swap3A_352 = arith.constant 6 : i32
        %swap3A_353 = arith.index_cast %swap3A_351 : i32 to index
        %swap3A_354 = arith.index_cast %swap3A_352 : i32 to index
        %swap3A_355 = arith.index_cast %mul3A_314 : i32 to index
        %swap3A_356 = tpu.vector_load %arg8[%swap3A_353, %swap3A_354, %swap3A_355] {strides = array<i32>} : memref<1x8x1024xf32, #tpu.memory_space<vmem>>, vector<16xf32>,
        tpu.vector_store %arg8[%swap3A_353, %swap3A_354, %swap3A_355], %gather3A_206 {strides = array<i32>} : memref<1x8x1024xf32, #tpu.memory_space<vmem>>, vector<16xf32>,
        %swap3A_357 = arith.constant 0 : i32
        %swap3A_358 = arith.constant 7 : i32
        %swap3A_359 = arith.index_cast %swap3A_357 : i32 to index
        %swap3A_360 = arith.index_cast %swap3A_358 : i32 to index
        %swap3A_361 = arith.index_cast %mul3A_314 : i32 to index
        %swap3A_362 = tpu.vector_load %arg8[%swap3A_359, %swap3A_360, %swap3A_361] {strides = array<i32>} : memref<1x8x1024xf32, #tpu.memory_space<vmem>>, vector<16xf32>,
        tpu.vector_store %arg8[%swap3A_359, %swap3A_360, %swap3A_361], %gather3A_207 {strides = array<i32>} : memref<1x8x1024xf32, #tpu.memory_space<vmem>>, vector<16xf32>,
        %mul3A_363 = arith.constant 8 : i32
        %mul3A_364 = arith.muli %add3A_105, %mul3A_363 : i32
        %add3A_365 = arith.constant 2 : i32
        %add3A_366 = arith.addi %mul3A_364, %add3A_365 : i32
        %mul3A_367 = arith.constant 16 : i32
        %mul3A_368 = arith.muli %add3A_366, %mul3A_367 : i32
        %swap3A_369 = arith.constant 0 : i32
        %swap3A_370 = arith.constant 0 : i32
        %swap3A_371 = arith.index_cast %swap3A_369 : i32 to index
        %swap3A_372 = arith.index_cast %swap3A_370 : i32 to index
        %swap3A_373 = arith.index_cast %mul3A_368 : i32 to index
        %swap3A_374 = tpu.vector_load %arg8[%swap3A_371, %swap3A_372, %swap3A_373] {strides = array<i32>} : memref<1x8x1024xf32, #tpu.memory_space<vmem>>, vector<16xf32>,
        tpu.vector_store %arg8[%swap3A_371, %swap3A_372, %swap3A_373], %gather3A_208 {strides = array<i32>} : memref<1x8x1024xf32, #tpu.memory_space<vmem>>, vector<16xf32>,
        %swap3A_375 = arith.constant 0 : i32
        %swap3A_376 = arith.constant 1 : i32
        %swap3A_377 = arith.index_cast %swap3A_375 : i32 to index
        %swap3A_378 = arith.index_cast %swap3A_376 : i32 to index
        %swap3A_379 = arith.index_cast %mul3A_368 : i32 to index
        %swap3A_380 = tpu.vector_load %arg8[%swap3A_377, %swap3A_378, %swap3A_379] {strides = array<i32>} : memref<1x8x1024xf32, #tpu.memory_space<vmem>>, vector<16xf32>,
        tpu.vector_store %arg8[%swap3A_377, %swap3A_378, %swap3A_379], %gather3A_209 {strides = array<i32>} : memref<1x8x1024xf32, #tpu.memory_space<vmem>>, vector<16xf32>,
        %swap3A_381 = arith.constant 0 : i32
        %swap3A_382 = arith.constant 2 : i32
        %swap3A_383 = arith.index_cast %swap3A_381 : i32 to index
        %swap3A_384 = arith.index_cast %swap3A_382 : i32 to index
        %swap3A_385 = arith.index_cast %mul3A_368 : i32 to index
        %swap3A_386 = tpu.vector_load %arg8[%swap3A_383, %swap3A_384, %swap3A_385] {strides = array<i32>} : memref<1x8x1024xf32, #tpu.memory_space<vmem>>, vector<16xf32>,
        tpu.vector_store %arg8[%swap3A_383, %swap3A_384, %swap3A_385], %gather3A_210 {strides = array<i32>} : memref<1x8x1024xf32, #tpu.memory_space<vmem>>, vector<16xf32>,
        %swap3A_387 = arith.constant 0 : i32
        %swap3A_388 = arith.constant 3 : i32
        %swap3A_389 = arith.index_cast %swap3A_387 : i32 to index
        %swap3A_390 = arith.index_cast %swap3A_388 : i32 to index
        %swap3A_391 = arith.index_cast %mul3A_368 : i32 to index
        %swap3A_392 = tpu.vector_load %arg8[%swap3A_389, %swap3A_390, %swap3A_391] {strides = array<i32>} : memref<1x8x1024xf32, #tpu.memory_space<vmem>>, vector<16xf32>,
        tpu.vector_store %arg8[%swap3A_389, %swap3A_390, %swap3A_391], %gather3A_211 {strides = array<i32>} : memref<1x8x1024xf32, #tpu.memory_space<vmem>>, vector<16xf32>,
        %swap3A_393 = arith.constant 0 : i32
        %swap3A_394 = arith.constant 4 : i32
        %swap3A_395 = arith.index_cast %swap3A_393 : i32 to index
        %swap3A_396 = arith.index_cast %swap3A_394 : i32 to index
        %swap3A_397 = arith.index_cast %mul3A_368 : i32 to index
        %swap3A_398 = tpu.vector_load %arg8[%swap3A_395, %swap3A_396, %swap3A_397] {strides = array<i32>} : memref<1x8x1024xf32, #tpu.memory_space<vmem>>, vector<16xf32>,
        tpu.vector_store %arg8[%swap3A_395, %swap3A_396, %swap3A_397], %gather3A_212 {strides = array<i32>} : memref<1x8x1024xf32, #tpu.memory_space<vmem>>, vector<16xf32>,
        %swap3A_399 = arith.constant 0 : i32
        %swap3A_400 = arith.constant 5 : i32
        %swap3A_401 = arith.index_cast %swap3A_399 : i32 to index
        %swap3A_402 = arith.index_cast %swap3A_400 : i32 to index
        %swap3A_403 = arith.index_cast %mul3A_368 : i32 to index
        %swap3A_404 = tpu.vector_load %arg8[%swap3A_401, %swap3A_402, %swap3A_403] {strides = array<i32>} : memref<1x8x1024xf32, #tpu.memory_space<vmem>>, vector<16xf32>,
        tpu.vector_store %arg8[%swap3A_401, %swap3A_402, %swap3A_403], %gather3A_213 {strides = array<i32>} : memref<1x8x1024xf32, #tpu.memory_space<vmem>>, vector<16xf32>,
        %swap3A_405 = arith.constant 0 : i32
        %swap3A_406 = arith.constant 6 : i32
        %swap3A_407 = arith.index_cast %swap3A_405 : i32 to index
        %swap3A_408 = arith.index_cast %swap3A_406 : i32 to index
        %swap3A_409 = arith.index_cast %mul3A_368 : i32 to index
        %swap3A_410 = tpu.vector_load %arg8[%swap3A_407, %swap3A_408, %swap3A_409] {strides = array<i32>} : memref<1x8x1024xf32, #tpu.memory_space<vmem>>, vector<16xf32>,
        tpu.vector_store %arg8[%swap3A_407, %swap3A_408, %swap3A_409], %gather3A_214 {strides = array<i32>} : memref<1x8x1024xf32, #tpu.memory_space<vmem>>, vector<16xf32>,
        %swap3A_411 = arith.constant 0 : i32
        %swap3A_412 = arith.constant 7 : i32
        %swap3A_413 = arith.index_cast %swap3A_411 : i32 to index
        %swap3A_414 = arith.index_cast %swap3A_412 : i32 to index
        %swap3A_415 = arith.index_cast %mul3A_368 : i32 to index
        %swap3A_416 = tpu.vector_load %arg8[%swap3A_413, %swap3A_414, %swap3A_415] {strides = array<i32>} : memref<1x8x1024xf32, #tpu.memory_space<vmem>>, vector<16xf32>,
        tpu.vector_store %arg8[%swap3A_413, %swap3A_414, %swap3A_415], %gather3A_215 {strides = array<i32>} : memref<1x8x1024xf32, #tpu.memory_space<vmem>>, vector<16xf32>,
        %mul3A_417 = arith.constant 8 : i32
        %mul3A_418 = arith.muli %add3A_105, %mul3A_417 : i32
        %add3A_419 = arith.constant 3 : i32
        %add3A_420 = arith.addi %mul3A_418, %add3A_419 : i32
        %mul3A_421 = arith.constant 16 : i32
        %mul3A_422 = arith.muli %add3A_420, %mul3A_421 : i32
        %swap3A_423 = arith.constant 0 : i32
        %swap3A_424 = arith.constant 0 : i32
        %swap3A_425 = arith.index_cast %swap3A_423 : i32 to index
        %swap3A_426 = arith.index_cast %swap3A_424 : i32 to index
        %swap3A_427 = arith.index_cast %mul3A_422 : i32 to index
        %swap3A_428 = tpu.vector_load %arg8[%swap3A_425, %swap3A_426, %swap3A_427] {strides = array<i32>} : memref<1x8x1024xf32, #tpu.memory_space<vmem>>, vector<16xf32>,
        tpu.vector_store %arg8[%swap3A_425, %swap3A_426, %swap3A_427], %gather3A_216 {strides = array<i32>} : memref<1x8x1024xf32, #tpu.memory_space<vmem>>, vector<16xf32>,
        %swap3A_429 = arith.constant 0 : i32
        %swap3A_430 = arith.constant 1 : i32
        %swap3A_431 = arith.index_cast %swap3A_429 : i32 to index
        %swap3A_432 = arith.index_cast %swap3A_430 : i32 to index
        %swap3A_433 = arith.index_cast %mul3A_422 : i32 to index
        %swap3A_434 = tpu.vector_load %arg8[%swap3A_431, %swap3A_432, %swap3A_433] {strides = array<i32>} : memref<1x8x1024xf32, #tpu.memory_space<vmem>>, vector<16xf32>,
        tpu.vector_store %arg8[%swap3A_431, %swap3A_432, %swap3A_433], %gather3A_217 {strides = array<i32>} : memref<1x8x1024xf32, #tpu.memory_space<vmem>>, vector<16xf32>,
        %swap3A_435 = arith.constant 0 : i32
        %swap3A_436 = arith.constant 2 : i32
        %swap3A_437 = arith.index_cast %swap3A_435 : i32 to index
        %swap3A_438 = arith.index_cast %swap3A_436 : i32 to index
        %swap3A_439 = arith.index_cast %mul3A_422 : i32 to index
        %swap3A_440 = tpu.vector_load %arg8[%swap3A_437, %swap3A_438, %swap3A_439] {strides = array<i32>} : memref<1x8x1024xf32, #tpu.memory_space<vmem>>, vector<16xf32>,
        tpu.vector_store %arg8[%swap3A_437, %swap3A_438, %swap3A_439], %gather3A_218 {strides = array<i32>} : memref<1x8x1024xf32, #tpu.memory_space<vmem>>, vector<16xf32>,
        %swap3A_441 = arith.constant 0 : i32
        %swap3A_442 = arith.constant 3 : i32
        %swap3A_443 = arith.index_cast %swap3A_441 : i32 to index
        %swap3A_444 = arith.index_cast %swap3A_442 : i32 to index
        %swap3A_445 = arith.index_cast %mul3A_422 : i32 to index
        %swap3A_446 = tpu.vector_load %arg8[%swap3A_443, %swap3A_444, %swap3A_445] {strides = array<i32>} : memref<1x8x1024xf32, #tpu.memory_space<vmem>>, vector<16xf32>,
        tpu.vector_store %arg8[%swap3A_443, %swap3A_444, %swap3A_445], %gather3A_219 {strides = array<i32>} : memref<1x8x1024xf32, #tpu.memory_space<vmem>>, vector<16xf32>,
        %swap3A_447 = arith.constant 0 : i32
        %swap3A_448 = arith.constant 4 : i32
        %swap3A_449 = arith.index_cast %swap3A_447 : i32 to index
        %swap3A_450 = arith.index_cast %swap3A_448 : i32 to index
        %swap3A_451 = arith.index_cast %mul3A_422 : i32 to index
        %swap3A_452 = tpu.vector_load %arg8[%swap3A_449, %swap3A_450, %swap3A_451] {strides = array<i32>} : memref<1x8x1024xf32, #tpu.memory_space<vmem>>, vector<16xf32>,
        tpu.vector_store %arg8[%swap3A_449, %swap3A_450, %swap3A_451], %gather3A_220 {strides = array<i32>} : memref<1x8x1024xf32, #tpu.memory_space<vmem>>, vector<16xf32>,
        %swap3A_453 = arith.constant 0 : i32
        %swap3A_454 = arith.constant 5 : i32
        %swap3A_455 = arith.index_cast %swap3A_453 : i32 to index
        %swap3A_456 = arith.index_cast %swap3A_454 : i32 to index
        %swap3A_457 = arith.index_cast %mul3A_422 : i32 to index
        %swap3A_458 = tpu.vector_load %arg8[%swap3A_455, %swap3A_456, %swap3A_457] {strides = array<i32>} : memref<1x8x1024xf32, #tpu.memory_space<vmem>>, vector<16xf32>,
        tpu.vector_store %arg8[%swap3A_455, %swap3A_456, %swap3A_457], %gather3A_221 {strides = array<i32>} : memref<1x8x1024xf32, #tpu.memory_space<vmem>>, vector<16xf32>,
        %swap3A_459 = arith.constant 0 : i32
        %swap3A_460 = arith.constant 6 : i32
        %swap3A_461 = arith.index_cast %swap3A_459 : i32 to index
        %swap3A_462 = arith.index_cast %swap3A_460 : i32 to index
        %swap3A_463 = arith.index_cast %mul3A_422 : i32 to index
        %swap3A_464 = tpu.vector_load %arg8[%swap3A_461, %swap3A_462, %swap3A_463] {strides = array<i32>} : memref<1x8x1024xf32, #tpu.memory_space<vmem>>, vector<16xf32>,
        tpu.vector_store %arg8[%swap3A_461, %swap3A_462, %swap3A_463], %gather3A_222 {strides = array<i32>} : memref<1x8x1024xf32, #tpu.memory_space<vmem>>, vector<16xf32>,
        %swap3A_465 = arith.constant 0 : i32
        %swap3A_466 = arith.constant 7 : i32
        %swap3A_467 = arith.index_cast %swap3A_465 : i32 to index
        %swap3A_468 = arith.index_cast %swap3A_466 : i32 to index
        %swap3A_469 = arith.index_cast %mul3A_422 : i32 to index
        %swap3A_470 = tpu.vector_load %arg8[%swap3A_467, %swap3A_468, %swap3A_469] {strides = array<i32>} : memref<1x8x1024xf32, #tpu.memory_space<vmem>>, vector<16xf32>,
        tpu.vector_store %arg8[%swap3A_467, %swap3A_468, %swap3A_469], %gather3A_223 {strides = array<i32>} : memref<1x8x1024xf32, #tpu.memory_space<vmem>>, vector<16xf32>,
        %mul3A_471 = arith.constant 8 : i32
        %mul3A_472 = arith.muli %add3A_105, %mul3A_471 : i32
        %add3A_473 = arith.constant 4 : i32
        %add3A_474 = arith.addi %mul3A_472, %add3A_473 : i32
        %mul3A_475 = arith.constant 16 : i32
        %mul3A_476 = arith.muli %add3A_474, %mul3A_475 : i32
        %swap3A_477 = arith.constant 0 : i32
        %swap3A_478 = arith.constant 0 : i32
        %swap3A_479 = arith.index_cast %swap3A_477 : i32 to index
        %swap3A_480 = arith.index_cast %swap3A_478 : i32 to index
        %swap3A_481 = arith.index_cast %mul3A_476 : i32 to index
        %swap3A_482 = tpu.vector_load %arg8[%swap3A_479, %swap3A_480, %swap3A_481] {strides = array<i32>} : memref<1x8x1024xf32, #tpu.memory_space<vmem>>, vector<16xf32>,
        tpu.vector_store %arg8[%swap3A_479, %swap3A_480, %swap3A_481], %gather3A_224 {strides = array<i32>} : memref<1x8x1024xf32, #tpu.memory_space<vmem>>, vector<16xf32>,
        %swap3A_483 = arith.constant 0 : i32
        %swap3A_484 = arith.constant 1 : i32
        %swap3A_485 = arith.index_cast %swap3A_483 : i32 to index
        %swap3A_486 = arith.index_cast %swap3A_484 : i32 to index
        %swap3A_487 = arith.index_cast %mul3A_476 : i32 to index
        %swap3A_488 = tpu.vector_load %arg8[%swap3A_485, %swap3A_486, %swap3A_487] {strides = array<i32>} : memref<1x8x1024xf32, #tpu.memory_space<vmem>>, vector<16xf32>,
        tpu.vector_store %arg8[%swap3A_485, %swap3A_486, %swap3A_487], %gather3A_225 {strides = array<i32>} : memref<1x8x1024xf32, #tpu.memory_space<vmem>>, vector<16xf32>,
        %swap3A_489 = arith.constant 0 : i32
        %swap3A_490 = arith.constant 2 : i32
        %swap3A_491 = arith.index_cast %swap3A_489 : i32 to index
        %swap3A_492 = arith.index_cast %swap3A_490 : i32 to index
        %swap3A_493 = arith.index_cast %mul3A_476 : i32 to index
        %swap3A_494 = tpu.vector_load %arg8[%swap3A_491, %swap3A_492, %swap3A_493] {strides = array<i32>} : memref<1x8x1024xf32, #tpu.memory_space<vmem>>, vector<16xf32>,
        tpu.vector_store %arg8[%swap3A_491, %swap3A_492, %swap3A_493], %gather3A_226 {strides = array<i32>} : memref<1x8x1024xf32, #tpu.memory_space<vmem>>, vector<16xf32>,
        %swap3A_495 = arith.constant 0 : i32
        %swap3A_496 = arith.constant 3 : i32
        %swap3A_497 = arith.index_cast %swap3A_495 : i32 to index
        %swap3A_498 = arith.index_cast %swap3A_496 : i32 to index
        %swap3A_499 = arith.index_cast %mul3A_476 : i32 to index
        %swap3A_500 = tpu.vector_load %arg8[%swap3A_497, %swap3A_498, %swap3A_499] {strides = array<i32>} : memref<1x8x1024xf32, #tpu.memory_space<vmem>>, vector<16xf32>,
        tpu.vector_store %arg8[%swap3A_497, %swap3A_498, %swap3A_499], %gather3A_227 {strides = array<i32>} : memref<1x8x1024xf32, #tpu.memory_space<vmem>>, vector<16xf32>,
        %swap3A_501 = arith.constant 0 : i32
        %swap3A_502 = arith.constant 4 : i32
        %swap3A_503 = arith.index_cast %swap3A_501 : i32 to index
        %swap3A_504 = arith.index_cast %swap3A_502 : i32 to index
        %swap3A_505 = arith.index_cast %mul3A_476 : i32 to index
        %swap3A_506 = tpu.vector_load %arg8[%swap3A_503, %swap3A_504, %swap3A_505] {strides = array<i32>} : memref<1x8x1024xf32, #tpu.memory_space<vmem>>, vector<16xf32>,
        tpu.vector_store %arg8[%swap3A_503, %swap3A_504, %swap3A_505], %gather3A_228 {strides = array<i32>} : memref<1x8x1024xf32, #tpu.memory_space<vmem>>, vector<16xf32>,
        %swap3A_507 = arith.constant 0 : i32
        %swap3A_508 = arith.constant 5 : i32
        %swap3A_509 = arith.index_cast %swap3A_507 : i32 to index
        %swap3A_510 = arith.index_cast %swap3A_508 : i32 to index
        %swap3A_511 = arith.index_cast %mul3A_476 : i32 to index
        %swap3A_512 = tpu.vector_load %arg8[%swap3A_509, %swap3A_510, %swap3A_511] {strides = array<i32>} : memref<1x8x1024xf32, #tpu.memory_space<vmem>>, vector<16xf32>,
        tpu.vector_store %arg8[%swap3A_509, %swap3A_510, %swap3A_511], %gather3A_229 {strides = array<i32>} : memref<1x8x1024xf32, #tpu.memory_space<vmem>>, vector<16xf32>,
        %swap3A_513 = arith.constant 0 : i32
        %swap3A_514 = arith.constant 6 : i32
        %swap3A_515 = arith.index_cast %swap3A_513 : i32 to index
        %swap3A_516 = arith.index_cast %swap3A_514 : i32 to index
        %swap3A_517 = arith.index_cast %mul3A_476 : i32 to index
        %swap3A_518 = tpu.vector_load %arg8[%swap3A_515, %swap3A_516, %swap3A_517] {strides = array<i32>} : memref<1x8x1024xf32, #tpu.memory_space<vmem>>, vector<16xf32>,
        tpu.vector_store %arg8[%swap3A_515, %swap3A_516, %swap3A_517], %gather3A_230 {strides = array<i32>} : memref<1x8x1024xf32, #tpu.memory_space<vmem>>, vector<16xf32>,
        %swap3A_519 = arith.constant 0 : i32
        %swap3A_520 = arith.constant 7 : i32
        %swap3A_521 = arith.index_cast %swap3A_519 : i32 to index
        %swap3A_522 = arith.index_cast %swap3A_520 : i32 to index
        %swap3A_523 = arith.index_cast %mul3A_476 : i32 to index
        %swap3A_524 = tpu.vector_load %arg8[%swap3A_521, %swap3A_522, %swap3A_523] {strides = array<i32>} : memref<1x8x1024xf32, #tpu.memory_space<vmem>>, vector<16xf32>,
        tpu.vector_store %arg8[%swap3A_521, %swap3A_522, %swap3A_523], %gather3A_231 {strides = array<i32>} : memref<1x8x1024xf32, #tpu.memory_space<vmem>>, vector<16xf32>,
        %mul3A_525 = arith.constant 8 : i32
        %mul3A_526 = arith.muli %add3A_105, %mul3A_525 : i32
        %add3A_527 = arith.constant 5 : i32
        %add3A_528 = arith.addi %mul3A_526, %add3A_527 : i32
        %mul3A_529 = arith.constant 16 : i32
        %mul3A_530 = arith.muli %add3A_528, %mul3A_529 : i32
        %swap3A_531 = arith.constant 0 : i32
        %swap3A_532 = arith.constant 0 : i32
        %swap3A_533 = arith.index_cast %swap3A_531 : i32 to index
        %swap3A_534 = arith.index_cast %swap3A_532 : i32 to index
        %swap3A_535 = arith.index_cast %mul3A_530 : i32 to index
        %swap3A_536 = tpu.vector_load %arg8[%swap3A_533, %swap3A_534, %swap3A_535] {strides = array<i32>} : memref<1x8x1024xf32, #tpu.memory_space<vmem>>, vector<16xf32>,
        tpu.vector_store %arg8[%swap3A_533, %swap3A_534, %swap3A_535], %gather3A_232 {strides = array<i32>} : memref<1x8x1024xf32, #tpu.memory_space<vmem>>, vector<16xf32>,
        %swap3A_537 = arith.constant 0 : i32
        %swap3A_538 = arith.constant 1 : i32
        %swap3A_539 = arith.index_cast %swap3A_537 : i32 to index
        %swap3A_540 = arith.index_cast %swap3A_538 : i32 to index
        %swap3A_541 = arith.index_cast %mul3A_530 : i32 to index
        %swap3A_542 = tpu.vector_load %arg8[%swap3A_539, %swap3A_540, %swap3A_541] {strides = array<i32>} : memref<1x8x1024xf32, #tpu.memory_space<vmem>>, vector<16xf32>,
        tpu.vector_store %arg8[%swap3A_539, %swap3A_540, %swap3A_541], %gather3A_233 {strides = array<i32>} : memref<1x8x1024xf32, #tpu.memory_space<vmem>>, vector<16xf32>,
        %swap3A_543 = arith.constant 0 : i32
        %swap3A_544 = arith.constant 2 : i32
        %swap3A_545 = arith.index_cast %swap3A_543 : i32 to index
        %swap3A_546 = arith.index_cast %swap3A_544 : i32 to index
        %swap3A_547 = arith.index_cast %mul3A_530 : i32 to index
        %swap3A_548 = tpu.vector_load %arg8[%swap3A_545, %swap3A_546, %swap3A_547] {strides = array<i32>} : memref<1x8x1024xf32, #tpu.memory_space<vmem>>, vector<16xf32>,
        tpu.vector_store %arg8[%swap3A_545, %swap3A_546, %swap3A_547], %gather3A_234 {strides = array<i32>} : memref<1x8x1024xf32, #tpu.memory_space<vmem>>, vector<16xf32>,
        %swap3A_549 = arith.constant 0 : i32
        %swap3A_550 = arith.constant 3 : i32
        %swap3A_551 = arith.index_cast %swap3A_549 : i32 to index
        %swap3A_552 = arith.index_cast %swap3A_550 : i32 to index
        %swap3A_553 = arith.index_cast %mul3A_530 : i32 to index
        %swap3A_554 = tpu.vector_load %arg8[%swap3A_551, %swap3A_552, %swap3A_553] {strides = array<i32>} : memref<1x8x1024xf32, #tpu.memory_space<vmem>>, vector<16xf32>,
        tpu.vector_store %arg8[%swap3A_551, %swap3A_552, %swap3A_553], %gather3A_235 {strides = array<i32>} : memref<1x8x1024xf32, #tpu.memory_space<vmem>>, vector<16xf32>,
        %swap3A_555 = arith.constant 0 : i32
        %swap3A_556 = arith.constant 4 : i32
        %swap3A_557 = arith.index_cast %swap3A_555 : i32 to index
        %swap3A_558 = arith.index_cast %swap3A_556 : i32 to index
        %swap3A_559 = arith.index_cast %mul3A_530 : i32 to index
        %swap3A_560 = tpu.vector_load %arg8[%swap3A_557, %swap3A_558, %swap3A_559] {strides = array<i32>} : memref<1x8x1024xf32, #tpu.memory_space<vmem>>, vector<16xf32>,
        tpu.vector_store %arg8[%swap3A_557, %swap3A_558, %swap3A_559], %gather3A_236 {strides = array<i32>} : memref<1x8x1024xf32, #tpu.memory_space<vmem>>, vector<16xf32>,
        %swap3A_561 = arith.constant 0 : i32
        %swap3A_562 = arith.constant 5 : i32
        %swap3A_563 = arith.index_cast %swap3A_561 : i32 to index
        %swap3A_564 = arith.index_cast %swap3A_562 : i32 to index
        %swap3A_565 = arith.index_cast %mul3A_530 : i32 to index
        %swap3A_566 = tpu.vector_load %arg8[%swap3A_563, %swap3A_564, %swap3A_565] {strides = array<i32>} : memref<1x8x1024xf32, #tpu.memory_space<vmem>>, vector<16xf32>,
        tpu.vector_store %arg8[%swap3A_563, %swap3A_564, %swap3A_565], %gather3A_237 {strides = array<i32>} : memref<1x8x1024xf32, #tpu.memory_space<vmem>>, vector<16xf32>,
        %swap3A_567 = arith.constant 0 : i32
        %swap3A_568 = arith.constant 6 : i32
        %swap3A_569 = arith.index_cast %swap3A_567 : i32 to index
        %swap3A_570 = arith.index_cast %swap3A_568 : i32 to index
        %swap3A_571 = arith.index_cast %mul3A_530 : i32 to index
        %swap3A_572 = tpu.vector_load %arg8[%swap3A_569, %swap3A_570, %swap3A_571] {strides = array<i32>} : memref<1x8x1024xf32, #tpu.memory_space<vmem>>, vector<16xf32>,
        tpu.vector_store %arg8[%swap3A_569, %swap3A_570, %swap3A_571], %gather3A_238 {strides = array<i32>} : memref<1x8x1024xf32, #tpu.memory_space<vmem>>, vector<16xf32>,
        %swap3A_573 = arith.constant 0 : i32
        %swap3A_574 = arith.constant 7 : i32
        %swap3A_575 = arith.index_cast %swap3A_573 : i32 to index
        %swap3A_576 = arith.index_cast %swap3A_574 : i32 to index
        %swap3A_577 = arith.index_cast %mul3A_530 : i32 to index
        %swap3A_578 = tpu.vector_load %arg8[%swap3A_575, %swap3A_576, %swap3A_577] {strides = array<i32>} : memref<1x8x1024xf32, #tpu.memory_space<vmem>>, vector<16xf32>,
        tpu.vector_store %arg8[%swap3A_575, %swap3A_576, %swap3A_577], %gather3A_239 {strides = array<i32>} : memref<1x8x1024xf32, #tpu.memory_space<vmem>>, vector<16xf32>,
        %mul3A_579 = arith.constant 8 : i32
        %mul3A_580 = arith.muli %add3A_105, %mul3A_579 : i32
        %add3A_581 = arith.constant 6 : i32
        %add3A_582 = arith.addi %mul3A_580, %add3A_581 : i32
        %mul3A_583 = arith.constant 16 : i32
        %mul3A_584 = arith.muli %add3A_582, %mul3A_583 : i32
        %swap3A_585 = arith.constant 0 : i32
        %swap3A_586 = arith.constant 0 : i32
        %swap3A_587 = arith.index_cast %swap3A_585 : i32 to index
        %swap3A_588 = arith.index_cast %swap3A_586 : i32 to index
        %swap3A_589 = arith.index_cast %mul3A_584 : i32 to index
        %swap3A_590 = tpu.vector_load %arg8[%swap3A_587, %swap3A_588, %swap3A_589] {strides = array<i32>} : memref<1x8x1024xf32, #tpu.memory_space<vmem>>, vector<16xf32>,
        tpu.vector_store %arg8[%swap3A_587, %swap3A_588, %swap3A_589], %gather3A_240 {strides = array<i32>} : memref<1x8x1024xf32, #tpu.memory_space<vmem>>, vector<16xf32>,
        %swap3A_591 = arith.constant 0 : i32
        %swap3A_592 = arith.constant 1 : i32
        %swap3A_593 = arith.index_cast %swap3A_591 : i32 to index
        %swap3A_594 = arith.index_cast %swap3A_592 : i32 to index
        %swap3A_595 = arith.index_cast %mul3A_584 : i32 to index
        %swap3A_596 = tpu.vector_load %arg8[%swap3A_593, %swap3A_594, %swap3A_595] {strides = array<i32>} : memref<1x8x1024xf32, #tpu.memory_space<vmem>>, vector<16xf32>,
        tpu.vector_store %arg8[%swap3A_593, %swap3A_594, %swap3A_595], %gather3A_241 {strides = array<i32>} : memref<1x8x1024xf32, #tpu.memory_space<vmem>>, vector<16xf32>,
        %swap3A_597 = arith.constant 0 : i32
        %swap3A_598 = arith.constant 2 : i32
        %swap3A_599 = arith.index_cast %swap3A_597 : i32 to index
        %swap3A_600 = arith.index_cast %swap3A_598 : i32 to index
        %swap3A_601 = arith.index_cast %mul3A_584 : i32 to index
        %swap3A_602 = tpu.vector_load %arg8[%swap3A_599, %swap3A_600, %swap3A_601] {strides = array<i32>} : memref<1x8x1024xf32, #tpu.memory_space<vmem>>, vector<16xf32>,
        tpu.vector_store %arg8[%swap3A_599, %swap3A_600, %swap3A_601], %gather3A_242 {strides = array<i32>} : memref<1x8x1024xf32, #tpu.memory_space<vmem>>, vector<16xf32>,
        %swap3A_603 = arith.constant 0 : i32
        %swap3A_604 = arith.constant 3 : i32
        %swap3A_605 = arith.index_cast %swap3A_603 : i32 to index
        %swap3A_606 = arith.index_cast %swap3A_604 : i32 to index
        %swap3A_607 = arith.index_cast %mul3A_584 : i32 to index
        %swap3A_608 = tpu.vector_load %arg8[%swap3A_605, %swap3A_606, %swap3A_607] {strides = array<i32>} : memref<1x8x1024xf32, #tpu.memory_space<vmem>>, vector<16xf32>,
        tpu.vector_store %arg8[%swap3A_605, %swap3A_606, %swap3A_607], %gather3A_243 {strides = array<i32>} : memref<1x8x1024xf32, #tpu.memory_space<vmem>>, vector<16xf32>,
        %swap3A_609 = arith.constant 0 : i32
        %swap3A_610 = arith.constant 4 : i32
        %swap3A_611 = arith.index_cast %swap3A_609 : i32 to index
        %swap3A_612 = arith.index_cast %swap3A_610 : i32 to index
        %swap3A_613 = arith.index_cast %mul3A_584 : i32 to index
        %swap3A_614 = tpu.vector_load %arg8[%swap3A_611, %swap3A_612, %swap3A_613] {strides = array<i32>} : memref<1x8x1024xf32, #tpu.memory_space<vmem>>, vector<16xf32>,
        tpu.vector_store %arg8[%swap3A_611, %swap3A_612, %swap3A_613], %gather3A_244 {strides = array<i32>} : memref<1x8x1024xf32, #tpu.memory_space<vmem>>, vector<16xf32>,
        %swap3A_615 = arith.constant 0 : i32
        %swap3A_616 = arith.constant 5 : i32
        %swap3A_617 = arith.index_cast %swap3A_615 : i32 to index
        %swap3A_618 = arith.index_cast %swap3A_616 : i32 to index
        %swap3A_619 = arith.index_cast %mul3A_584 : i32 to index
        %swap3A_620 = tpu.vector_load %arg8[%swap3A_617, %swap3A_618, %swap3A_619] {strides = array<i32>} : memref<1x8x1024xf32, #tpu.memory_space<vmem>>, vector<16xf32>,
        tpu.vector_store %arg8[%swap3A_617, %swap3A_618, %swap3A_619], %gather3A_245 {strides = array<i32>} : memref<1x8x1024xf32, #tpu.memory_space<vmem>>, vector<16xf32>,
        %swap3A_621 = arith.constant 0 : i32
        %swap3A_622 = arith.constant 6 : i32
        %swap3A_623 = arith.index_cast %swap3A_621 : i32 to index
        %swap3A_624 = arith.index_cast %swap3A_622 : i32 to index
        %swap3A_625 = arith.index_cast %mul3A_584 : i32 to index
        %swap3A_626 = tpu.vector_load %arg8[%swap3A_623, %swap3A_624, %swap3A_625] {strides = array<i32>} : memref<1x8x1024xf32, #tpu.memory_space<vmem>>, vector<16xf32>,
        tpu.vector_store %arg8[%swap3A_623, %swap3A_624, %swap3A_625], %gather3A_246 {strides = array<i32>} : memref<1x8x1024xf32, #tpu.memory_space<vmem>>, vector<16xf32>,
        %swap3A_627 = arith.constant 0 : i32
        %swap3A_628 = arith.constant 7 : i32
        %swap3A_629 = arith.index_cast %swap3A_627 : i32 to index
        %swap3A_630 = arith.index_cast %swap3A_628 : i32 to index
        %swap3A_631 = arith.index_cast %mul3A_584 : i32 to index
        %swap3A_632 = tpu.vector_load %arg8[%swap3A_629, %swap3A_630, %swap3A_631] {strides = array<i32>} : memref<1x8x1024xf32, #tpu.memory_space<vmem>>, vector<16xf32>,
        tpu.vector_store %arg8[%swap3A_629, %swap3A_630, %swap3A_631], %gather3A_247 {strides = array<i32>} : memref<1x8x1024xf32, #tpu.memory_space<vmem>>, vector<16xf32>,
        %mul3A_633 = arith.constant 8 : i32
        %mul3A_634 = arith.muli %add3A_105, %mul3A_633 : i32
        %add3A_635 = arith.constant 7 : i32
        %add3A_636 = arith.addi %mul3A_634, %add3A_635 : i32
        %mul3A_637 = arith.constant 16 : i32
        %mul3A_638 = arith.muli %add3A_636, %mul3A_637 : i32
        %swap3A_639 = arith.constant 0 : i32
        %swap3A_640 = arith.constant 0 : i32
        %swap3A_641 = arith.index_cast %swap3A_639 : i32 to index
        %swap3A_642 = arith.index_cast %swap3A_640 : i32 to index
        %swap3A_643 = arith.index_cast %mul3A_638 : i32 to index
        %swap3A_644 = tpu.vector_load %arg8[%swap3A_641, %swap3A_642, %swap3A_643] {strides = array<i32>} : memref<1x8x1024xf32, #tpu.memory_space<vmem>>, vector<16xf32>,
        tpu.vector_store %arg8[%swap3A_641, %swap3A_642, %swap3A_643], %gather3A_248 {strides = array<i32>} : memref<1x8x1024xf32, #tpu.memory_space<vmem>>, vector<16xf32>,
        %swap3A_645 = arith.constant 0 : i32
        %swap3A_646 = arith.constant 1 : i32
        %swap3A_647 = arith.index_cast %swap3A_645 : i32 to index
        %swap3A_648 = arith.index_cast %swap3A_646 : i32 to index
        %swap3A_649 = arith.index_cast %mul3A_638 : i32 to index
        %swap3A_650 = tpu.vector_load %arg8[%swap3A_647, %swap3A_648, %swap3A_649] {strides = array<i32>} : memref<1x8x1024xf32, #tpu.memory_space<vmem>>, vector<16xf32>,
        tpu.vector_store %arg8[%swap3A_647, %swap3A_648, %swap3A_649], %gather3A_249 {strides = array<i32>} : memref<1x8x1024xf32, #tpu.memory_space<vmem>>, vector<16xf32>,
        %swap3A_651 = arith.constant 0 : i32
        %swap3A_652 = arith.constant 2 : i32
        %swap3A_653 = arith.index_cast %swap3A_651 : i32 to index
        %swap3A_654 = arith.index_cast %swap3A_652 : i32 to index
        %swap3A_655 = arith.index_cast %mul3A_638 : i32 to index
        %swap3A_656 = tpu.vector_load %arg8[%swap3A_653, %swap3A_654, %swap3A_655] {strides = array<i32>} : memref<1x8x1024xf32, #tpu.memory_space<vmem>>, vector<16xf32>,
        tpu.vector_store %arg8[%swap3A_653, %swap3A_654, %swap3A_655], %gather3A_250 {strides = array<i32>} : memref<1x8x1024xf32, #tpu.memory_space<vmem>>, vector<16xf32>,
        %swap3A_657 = arith.constant 0 : i32
        %swap3A_658 = arith.constant 3 : i32
        %swap3A_659 = arith.index_cast %swap3A_657 : i32 to index
        %swap3A_660 = arith.index_cast %swap3A_658 : i32 to index
        %swap3A_661 = arith.index_cast %mul3A_638 : i32 to index
        %swap3A_662 = tpu.vector_load %arg8[%swap3A_659, %swap3A_660, %swap3A_661] {strides = array<i32>} : memref<1x8x1024xf32, #tpu.memory_space<vmem>>, vector<16xf32>,
        tpu.vector_store %arg8[%swap3A_659, %swap3A_660, %swap3A_661], %gather3A_251 {strides = array<i32>} : memref<1x8x1024xf32, #tpu.memory_space<vmem>>, vector<16xf32>,
        %swap3A_663 = arith.constant 0 : i32
        %swap3A_664 = arith.constant 4 : i32
        %swap3A_665 = arith.index_cast %swap3A_663 : i32 to index
        %swap3A_666 = arith.index_cast %swap3A_664 : i32 to index
        %swap3A_667 = arith.index_cast %mul3A_638 : i32 to index
        %swap3A_668 = tpu.vector_load %arg8[%swap3A_665, %swap3A_666, %swap3A_667] {strides = array<i32>} : memref<1x8x1024xf32, #tpu.memory_space<vmem>>, vector<16xf32>,
        tpu.vector_store %arg8[%swap3A_665, %swap3A_666, %swap3A_667], %gather3A_252 {strides = array<i32>} : memref<1x8x1024xf32, #tpu.memory_space<vmem>>, vector<16xf32>,
        %swap3A_669 = arith.constant 0 : i32
        %swap3A_670 = arith.constant 5 : i32
        %swap3A_671 = arith.index_cast %swap3A_669 : i32 to index
        %swap3A_672 = arith.index_cast %swap3A_670 : i32 to index
        %swap3A_673 = arith.index_cast %mul3A_638 : i32 to index
        %swap3A_674 = tpu.vector_load %arg8[%swap3A_671, %swap3A_672, %swap3A_673] {strides = array<i32>} : memref<1x8x1024xf32, #tpu.memory_space<vmem>>, vector<16xf32>,
        tpu.vector_store %arg8[%swap3A_671, %swap3A_672, %swap3A_673], %gather3A_253 {strides = array<i32>} : memref<1x8x1024xf32, #tpu.memory_space<vmem>>, vector<16xf32>,
        %swap3A_675 = arith.constant 0 : i32
        %swap3A_676 = arith.constant 6 : i32
        %swap3A_677 = arith.index_cast %swap3A_675 : i32 to index
        %swap3A_678 = arith.index_cast %swap3A_676 : i32 to index
        %swap3A_679 = arith.index_cast %mul3A_638 : i32 to index
        %swap3A_680 = tpu.vector_load %arg8[%swap3A_677, %swap3A_678, %swap3A_679] {strides = array<i32>} : memref<1x8x1024xf32, #tpu.memory_space<vmem>>, vector<16xf32>,
        tpu.vector_store %arg8[%swap3A_677, %swap3A_678, %swap3A_679], %gather3A_254 {strides = array<i32>} : memref<1x8x1024xf32, #tpu.memory_space<vmem>>, vector<16xf32>,
        %swap3A_681 = arith.constant 0 : i32
        %swap3A_682 = arith.constant 7 : i32
        %swap3A_683 = arith.index_cast %swap3A_681 : i32 to index
        %swap3A_684 = arith.index_cast %swap3A_682 : i32 to index
        %swap3A_685 = arith.index_cast %mul3A_638 : i32 to index
        %swap3A_686 = tpu.vector_load %arg8[%swap3A_683, %swap3A_684, %swap3A_685] {strides = array<i32>} : memref<1x8x1024xf32, #tpu.memory_space<vmem>>, vector<16xf32>,
        tpu.vector_store %arg8[%swap3A_683, %swap3A_684, %swap3A_685], %gather3A_255 {strides = array<i32>} : memref<1x8x1024xf32, #tpu.memory_space<vmem>>, vector<16xf32>,
      }
      %scan3A_93 = arith.constant 8 : i32
      %add3A_94 = arith.constant 1 : i32
      %add3A_95 = arith.addi %add3A_70, %add3A_94 : i32
      %add3A_96 = arith.addi %min3A_35, %add3A_95 : i32
      %dma_start3A_97 = arith.constant 0 : i32
      %dma_start3A_98 = tpu.memref_slice %arg4[%add3A_96, %mul3A_11, %dma_start3A_97] : memref<50x64x1024xf32, #tpu.memory_space<hbm>> -> memref<1x8x1024xf32, #tpu.memory_space<hbm>>
      %dma_start3A_99 = arith.constant 0 : i32
      %dma_start3A_100 = tpu.memref_slice %arg4[%add3A_96, %mul3A_11, %dma_start3A_99] : memref<50x64x1024xf32, #tpu.memory_space<hbm>> -> memref<1x8x1024xf32, #tpu.memory_space<hbm>>
      tpu.enqueue_dma source(%arg8 : memref<1x8x1024xf32, #tpu.memory_space<vmem>>) target(%dma_start3A_100 : memref<1x8x1024xf32, #tpu.memory_space<hbm>>) target_semaphore(%arg10 : memref<!tpu.dma_semaphore, #tpu.memory_space<semaphore_mem>>)
    }
    %scan3A_54 = arith.constant 7 : i32
    %add3A_55 = arith.constant 12 : i32
    %add3A_56 = arith.addi %min3A_35, %add3A_55 : i32
    %dma_wait3A = arith.constant 0 : i32
    %dma_wait3A_57 = tpu.memref_slice %arg4[%add3A_56, %mul3A_11, %dma_wait3A] : memref<50x64x1024xf32, #tpu.memory_space<hbm>> -> memref<1x8x1024xf32, #tpu.memory_space<hbm>>
    %dma_wait3A_58 = arith.constant 0 : i32
    %dma_wait3A_59 = tpu.memref_slice %arg4[%add3A_56, %mul3A_11, %dma_wait3A_58] : memref<50x64x1024xf32, #tpu.memory_space<hbm>> -> memref<1x8x1024xf32, #tpu.memory_space<hbm>>
    tpu.wait_dma2 semaphore(%arg9 : memref<!tpu.dma_semaphore, #tpu.memory_space<semaphore_mem>>) src(%arg7 : memref<1x8x1024xf32, #tpu.memory_space<vmem>>) dst(%dma_wait3A_59 : memref<1x8x1024xf32, #tpu.memory_space<hbm>>)
    %add3A_60 = arith.constant 13 : i32
    %add3A_61 = arith.addi %min3A_35, %add3A_60 : i32
    %dma_wait3A_62 = arith.constant 0 : i32
    %dma_wait3A_63 = tpu.memref_slice %arg4[%add3A_61, %mul3A_11, %dma_wait3A_62] : memref<50x64x1024xf32, #tpu.memory_space<hbm>> -> memref<1x8x1024xf32, #tpu.memory_space<hbm>>
    %dma_wait3A_64 = arith.constant 0 : i32
    %dma_wait3A_65 = tpu.memref_slice %arg4[%add3A_61, %mul3A_11, %dma_wait3A_64] : memref<50x64x1024xf32, #tpu.memory_space<hbm>> -> memref<1x8x1024xf32, #tpu.memory_space<hbm>>
    tpu.wait_dma2 semaphore(%arg10 : memref<!tpu.dma_semaphore, #tpu.memory_space<semaphore_mem>>) src(%arg8 : memref<1x8x1024xf32, #tpu.memory_space<vmem>>) dst(%dma_wait3A_65 : memref<1x8x1024xf32, #tpu.memory_space<hbm>>)
    return
  }
}

</mosaic_0001>

<sc_bundles>
// kernel: kernel.3.cloned.1.call-start
scs
__scs_entry_jumppad:
0x0: {  	(pc) =	sbr.rel $0x88, $3  }
0x1: {  	(tag) =	ssettag $0x0;
	lr =	simm.s32 $0x1  }
0x2: {  	[smem:$0x3F9F] =	sst lr;
	_ =	strace $0xD0000000  }
0x3: {  	_ = 	snop  }
0x4: {  	_ = 	snop  }
0x5: {  	_ = 	snop  }
0x6: {  	_ = 	snop  }
0x7: {  	_ = 	snop  }
__scs_overlays_trampoline_lowered:
0x8: {  	[smem:$0x3FAE] =	sst s0  }
0x9: {  	[smem:$0x3FAF] =	sst s1  }
0xa: {  	[smem:$0x3FB0] =	sst s2  }
0xb: {  	[smem:$0x3FB1] =	sst s3  }
0xc: {  	[smem:$0x3FB2] =	sst s4  }
0xd: {  	[smem:$0x3FB3] =	sst s5  }
0xe: {  	[smem:$0x3FB4] =	sst s6  }
0xf: {  	[smem:$0x3FB5] =	sst s7  }
0x10: {  	[smem:$0x3FB6] =	sst s8  }
0x11: {  	[smem:$0x3FB7] =	sst s9;
	s0 =	simm.s32 @!p0 $0x0  }
0x12: {  	s1 =	sld [smem:$0x3F9D];
	s0 =	simm.s32 @p0 $0x1  }
0x13: {  	[smem:$0x3FB8] =	sst s0;
	s0 =	simm.s32 @!p1 $0x0  }
0x14: {  	s2 =	sld [smem:$0x3F9C];
	s0 =	simm.s32 @p1 $0x1  }
0x15: {  	[smem:$0x3FB9] =	sst s0;
	s0 =	simm.s32 @!p2 $0x0  }
0x16: {  	s3 =	sld [smem:$0x3FDB];
	s0 =	simm.s32 @p2 $0x1  }
0x17: {  	s4 =	simm.s32 $0x1BF5;
	[smem:$0x3FBB] =	sst s0  }
0x18: {  	s0 =	sld [smem:$0x3F9E];
	_ =	swait.ge [sflag:s4], $0x0  }
0x19: {  	s7 =	sld [smem:$0x3F9F]  }
0x1a: {  	s8 =	sadd.s32 $0xFFFFE003, lr  }
0x1b: {  	s9 =	sadd.s32 $0xFFFFFEF7, lr;
	s5 =	simm.s32 $0xFFFFFFFF;
	p2 =	slt.u32 s8, $0xFFFFF086  }
0x1c: {  	p1 =	slt.u32 s9, $0xF7A;
	s5 =	simm.s32 @!p2 $0x0  }
0x1d: {  	s5 =	simm.s32 @p1 $0x1;
	p0 =	seq.s32 s7, s2  }
0x1e: {  	s7 =	smul.u32 @!p0 $0xF7A, s2;
	p2 =	seq.s32 @!p0 s5, $0x0  }
0x1f: {  	s9 =	smul.u32 $0xF7A, s1;
	s8 =	simm.s32 @!p0 $0x1BF5;
	p2 =	por !p2, p0  }
0x20: {  	[sflag:s8] =	ssyncset.s32 @!p0 $0xFFFFF086;
	s6 =	sadd.s32 @!p0 s3, s7;
	s7 =	simm.s32 @!p0 $0x108  }
0x21: {  	s3 =	sadd.s32 s3, s9;
	s6 =	sadd.s32 @!p0 $0x88, s6;
	s7 =	simm.s32 @p2 $0x1082  }
0x22: {  	[simem:s7], [sflag:s8] =	dma.local @!p0 [hbm:s6], $0xF7A  }
0x23: {  	s9 =	sor.u32 $0xD0000000, s2;
	s6 =	simm.s32 $0x108;
	_ =	swait.ge @!p0 [sflag:s8], $0x0  }
0x24: {  	s3 =	sadd.s32 $0x88, s3;
	s6 =	simm.s32 @!p1 $0x1082;
	[sflag:s4] =	ssyncset.s32 $0xFFFFF086  }
0x25: {  	[simem:s6], [sflag:s4] =	dma.local [hbm:s3], $0xF7A  }
0x26: {  	[smem:$0x3F9F] =	sst s1;
	(tag) =	ssettag s2;
	_ =	strace s9  }
0x27: {  	s1 =	sld [smem:$0x3FAF]  }
0x28: {  	s2 =	sld [smem:$0x3FB0]  }
0x29: {  	s4 =	sld [smem:$0x3FB2]  }
0x2a: {  	p0 =	seq.s32 s5, $0x0;
	s5 =	sld [smem:$0x3FB3]  }
0x2b: {  	s6 =	sld [smem:$0x3FB4]  }
0x2c: {  	s7 =	sld [smem:$0x3FB5]  }
0x2d: {  	s3 =	simm.s32 $0x108;
	s8 =	sld [smem:$0x3FB6]  }
0x2e: {  	s3 =	simm.s32 @!p0 $0x1082;
	s9 =	sld [smem:$0x3FB7]  }
0x2f: {  	lr =	sadd.s32 s0, s3;
	s0 =	sld [smem:$0x3FAE]  }
0x30: {  	s3 =	sld [smem:$0x3FB1]  }
0x31: {  	[smem:$0x3FBA] =	sst s10  }
0x32: {  	s10 =	sld [smem:$0x3FB8];
	_ =	sdelay $0x3  }
0x33: {  	p0 =	seq.s32 s10, $0x1;
	s10 =	sld [smem:$0x3FBA];
	_ =	sdelay $0x3  }
0x34: {  	[smem:$0x3FBA] =	sst s10  }
0x35: {  	s10 =	sld [smem:$0x3FB9];
	_ =	sdelay $0x3  }
0x36: {  	p1 =	seq.s32 s10, $0x1;
	s10 =	sld [smem:$0x3FBA];
	_ =	sdelay $0x3  }
0x37: {  	[smem:$0x3FBA] =	sst s10  }
0x38: {  	s10 =	sld [smem:$0x3FBB]  }
0x39: {  	_ = 	snop;
	(pc) =	sbr.ind lr, $3  }
0x3a: {  	_ = 	snop  }
0x3b: {  	_ = 	snop  }
0x3c: {  	p2 =	seq.s32 s10, $0x1;
	s10 =	sld [smem:$0x3FBA]  }
0x3d: {  	_ =	shalt  }
0x3e: {  	_ =	shalt  }
0x3f: {  	_ =	shalt  }
0x40: {  	_ =	shalt  }
0x41: {  	_ =	shalt  }
0x42: {  	_ =	shalt  }
0x43: {  	_ =	shalt  }
0x44: {  	_ =	shalt  }
0x45: {  	_ =	shalt  }
0x46: {  	_ =	shalt  }
0x47: {  	_ =	shalt  }
0x48: {  	_ =	shalt  }
0x49: {  	_ =	shalt  }
0x4a: {  	_ =	shalt  }
0x4b: {  	_ =	shalt  }
0x4c: {  	_ =	shalt  }
0x4d: {  	_ =	shalt  }
0x4e: {  	_ =	shalt  }
0x4f: {  	_ =	shalt  }
0x50: {  	_ =	shalt  }
0x51: {  	_ =	shalt  }
0x52: {  	_ =	shalt  }
0x53: {  	_ =	shalt  }
0x54: {  	_ =	shalt  }
0x55: {  	_ =	shalt  }
0x56: {  	_ =	shalt  }
0x57: {  	_ =	shalt  }
0x58: {  	_ =	shalt  }
0x59: {  	_ =	shalt  }
0x5a: {  	_ =	shalt  }
0x5b: {  	_ =	shalt  }
0x5c: {  	_ =	shalt  }
0x5d: {  	_ =	shalt  }
0x5e: {  	_ =	shalt  }
0x5f: {  	_ =	shalt  }
0x60: {  	_ =	shalt  }
0x61: {  	_ =	shalt  }
0x62: {  	_ =	shalt  }
0x63: {  	_ =	shalt  }
0x64: {  	_ =	shalt  }
0x65: {  	_ =	shalt  }
0x66: {  	_ =	shalt  }
0x67: {  	_ =	shalt  }
0x68: {  	_ =	shalt  }
0x69: {  	_ =	shalt  }
0x6a: {  	_ =	shalt  }
0x6b: {  	_ =	shalt  }
0x6c: {  	_ =	shalt  }
0x6d: {  	_ =	shalt  }
0x6e: {  	_ =	shalt  }
0x6f: {  	_ =	shalt  }
0x70: {  	_ =	shalt  }
0x71: {  	_ =	shalt  }
0x72: {  	_ =	shalt  }
0x73: {  	_ =	shalt  }
0x74: {  	_ =	shalt  }
0x75: {  	_ =	shalt  }
0x76: {  	_ =	shalt  }
0x77: {  	_ =	shalt  }
0x78: {  	_ =	shalt  }
0x79: {  	_ =	shalt  }
0x7a: {  	_ =	shalt  }
0x7b: {  	_ =	shalt  }
0x7c: {  	_ =	shalt  }
0x7d: {  	_ =	shalt  }
0x7e: {  	_ =	shalt  }
0x7f: {  	_ =	shalt  }
0x80: {  	_ =	shalt  }
0x81: {  	_ =	shalt  }
0x82: {  	_ =	shalt  }
0x83: {  	_ =	shalt  }
0x84: {  	_ =	shalt  }
0x85: {  	_ =	shalt  }
0x86: {  	_ =	shalt  }
0x87: {  	_ =	shalt  }
.Lfunc_end0:
.L_simem_size_0:
called_computation_lowered:
.L_overlay_start_0:
0x88: {  	s2 =	sld [smem:$0x3FD9]  }
0x89: {  	s3 =	sld [smem:$0x3FFE];
	_ =	sdelay $0x1  }
0x8a: {  	s1 =	srdreg.scid  }
0x8b: {  	s0 =	sand.u32 $0x1, s1  }
0x8c: {  	s17 =	sshll.u32 s0, $0xA;
	s2 =	sadd.s32 s3, s2  }
0x8d: {  	s2 =	sadd.s32 s2, s17  }
0x8e: {  	[smem:$0x3FC6] =	sst s2  }
0x8f: {  	_ = 	snop  }
0x90: {  	s2 =	sld [smem:$0x3FC8]  }
0x91: {  	s18 =	sld [smem:$0x3FD0];
	(tm) =	ssettm $0x1  }
0x92: {  	s4 =	sld [smem:$0x3FFB];
	_ =	sdelay $0x3  }
0x93: {  	_ =	strace s4  }
0x94: {  	s4 =	sld [smem:$0x3FFC];
	_ =	sdelay $0x3  }
0x95: {  	_ =	strace s4  }
0x96: {  	s4 =	sld [smem:$0x3FFD];
	_ =	sdelay $0x3  }
0x97: {  	_ =	strace s4  }
0x98: {  	_ =	strace $0x8FFFFFFF  }
0x99: {  	s19 =	sld [smem:$0x3FDB];
	_ =	sdelay $0x1  }
0x9a: {  	s5 =	simm.s32 $_scs_section_size  }
0x9b: {  	s6 =	simm.s32 $_size__tile_overlayer_lowered;
	s7 =	simm.s32 $_tile_overlayer_lowered  }
0x9c: {  	s22 =	simm.s32 $0x1BFF;
	s21 =	sshll.u32 s7, $0x1;
	s4 =	sadd.s32 s5, s19  }
0x9d: {  	s8 =	simm.s32 $0x0;
	s20 =	sshll.u32 s6, $0x1;
	s6 =	sadd.s32 s21, s4  }
0x9e: {  	[timem:s8], [sflag:s22] =	dma.local [hbm:s6], s20  }
0x9f: {  	_ =	swait.ge [sflag:s22], s20  }
0xa0: {  	s5 =	ssub.s32 $0x0, s20;
	[sflag:s22] =	ssyncset.done $0x0  }
0xa1: {  	[sflag:s22] =	ssyncadd.s32 s5;
	_ =	sdelay $0x1  }
0xa2: {  	s23 =	simm.s32 $0x1B8B  }
0xa3: {  	_ =	swait.ge [sflag:s23], $0x1  }
0xa4: {  	[sflag:s23] =	ssyncset.done $0x0  }
0xa5: {  	s25 =	simm.s32 $0x1B8E;
	s24 =	sld [smem:$0x3FFE];
	[sflag:s23] =	ssyncadd.s32 $0xFFFFFFFF  }
0xa6: {  	s26 =	simm.s32 $execute0_lowered;
	[smem:$0x3FD2] =	sst s25  }
0xa7: {  	s6 =	sshll.u32 s26, $0x1;
	_ =	strace $0x80000046;
	[dreg:$0x1] =	wrdreg $0xFFFFFFFF  }
0xa8: {  	s28 =	simm.s32 $_size_execute0_lowered;
	s4 =	sadd.s32 s4, s6;
	[dreg:$0x0] =	wrdreg $0x0  }
0xa9: {  	s6 =	sshll.u32 s28, $0x1;
	[dreg:$0x2] =	wrdreg s4  }
0xaa: {  	[dreg:$0x3] =	wrdreg s6  }
0xab: {  	[dreg:$0x4] =	wrdreg $0xC0  }
0xac: {  	_ =	task [dreg:s8], $0x5FFFF  }
0xad: {  	[dreg:$0x1] =	wrdreg $0xFFFFFFFF  }
0xae: {  	[dreg:$0x0] =	wrdreg $0x60  }
0xaf: {  	[dreg:$0x2] =	wrdreg s2  }
0xb0: {  	[dreg:$0x3] =	wrdreg s24  }
0xb1: {  	[dreg:$0x4] =	wrdreg s18  }
0xb2: {  	[dreg:$0x5] =	wrdreg $0x9  }
0xb3: {  	_ =	task.clear_ibuf [dreg:s8], $0x6FFFF;
	_ =	strace $0x90000046  }
0xb4: {  	s29 =	simm.s32 $0x9;
	_ =	strace $0x80000048  }
0xb5: {  	_ =	swait.ge [sflag:s29], $0x1  }
0xb6: {  	[sflag:s29] =	ssyncadd.s32 $0xFFFFFFFF  }
0xb7: {  	_ =	strace $0x90000048  }
0xb8: {  	_ =	sfence  }
0xb9: {  	s30 =	sld [smem:$0x0];
	_ =	sdelay $0x2  }
0xba: {  	s31 =	sshll.u32 s1, $0xD;
	s1 =	sshrl.u32 s1, $0x2  }
0xbb: {  	s3 =	sand.u32 $0x4000, s31;
	s1 =	sadd.s32 s1, s30  }
0xbc: {  	s0 =	sor.u32 s3, s0;
	s1 =	sshll.u32 s1, $0x11  }
0xbd: {  	s0 =	sor.u32 s1, s0  }
0xbe: {  	s0 =	sadd.s32 $0x8F2B, s0  }
0xbf: {  	[sflag:s0] =	ssyncadd.remote.s32 $0x1  }
0xc0: {  	_ =	sfence.sel $0xFFFF  }
0xc1: {  	[dreg:$0x0] =	wrdreg $0xFFFFFFFF;
	(pc) =	sbr.abs _section_cstart, $3  }
0xc2: {  	[dreg:$0x1] =	wrdreg $0xFFFFFFFF  }
0xc3: {  	_ =	task.clear_ibuf [dreg:s8], $0x2FFFF;
	_ =	strace $0x9FFFFFFF  }
0xc4: {  	(tm) =	ssettm $0x7FFFFFFF  }
0xc5: {  	_ =	shalt  }
tec
execute0_lowered:
.L_overlay_start_1:
0x0: {  	(tag) =	ssettag $0x1  }
0x1: {  	s6 =	rddreg [dreg:$0x0]  }
0x2: {  	s5 =	rddreg [dreg:$0x1]  }
0x3: {  	s2 =	rddreg [dreg:$0x2]  }
0x4: {  	s1 =	stileid.u32;
	s0 =	rddreg [dreg:$0x3];
	s3 =	simm.s32 $0x0  }
0x5: {  	s7 =	srdreg.scid;
	s11 =	simm.s32 $0x5800;
	s12 =	simm.s32 $0x7800  }
0x6: {  	s13 =	simm.s32 $0x1;
	s14 =	simm.s32 $0x2;
	s15 =	simm.s32 $0x0  }
0x7: {  	s4 =	sshrl.u32 s1, $0x2;
	[smem:$0x7FF] =	sst s3;
	s8 =	sshll.u32 s1, $0x1  }
0x8: {  	s7 =	sand.u32 $0x1, s7;
	s4 =	smul.u32 $0xE, s4;
	s8 =	sand.u32 $0x6, s8  }
0x9: {  	_ =	strace $0x80000047;
	s10 =	ssub.s32 $0x2, s7;
	s7 =	sor.u32 s7, s8  }
0xa: {  	s30 =	sshrl.u32 s10, $0x1;
	s4 =	smin.u32 s4, $0x24;
	s31 =	sshll.u32 s7, $0xA  }
0xb: {  	s10 =	ssub.s32 s10, s30;
	s9 =	sshll.u32 s4, $0x7;
	s6 =	sadd.s32 s6, s31  }
0xc: {  	s8 =	smax.u32 s10, $0x1;
	s10 =	simm.s32 $0x2000;
	s29 =	sadd.s32 s9, s5  }
0xd: {  	s5 =	sshll.u32 s7, $0xD;
	s9 =	simm.s32 $0x3;
	s7 =	sadd.s32 $0x400, s29  }
.LBB2_1:
0xe: {  	[tilespmem:s3], [sflag:$0x3] =	stream.linear.gather [hbm4b:s6+s3], $0x2000, $0x38;
	[tilespmem:$0x9800] =	vst v63  }
0xf: {  	_ =	swait.ge [sflag:s9], $0x2000  }
0x10: {  	[sflag:s9] =	ssyncset.done $0x0  }
0x11: {  	[sflag:s9] =	ssyncadd.s32 $0xFFFFE000  }
0x12: {  	[tilespmem:s10], [sflag:$0x3] =	stream.linear.gather [hbm4b:s7+s3], $0x3800, $0x38;
	[tilespmem:$0x9800] =	vst v63  }
0x13: {  	_ =	swait.ge [sflag:s9], $0x3800  }
0x14: {  	s16 =	simm.s32 $0x2040;
	[sflag:s9] =	ssyncset.done $0x0  }
0x15: {  	s17 =	simm.s32 $0x2400;
	s18 =	simm.s32 $0x0;
	[sflag:s9] =	ssyncadd.s32 $0xFFFFC800  }
.LBB2_2:
0x16: {  	p0 =	seq.s32 s18, $0x0  }
0x17: {  	v27 =	vmov s16;
	s20 =	simm.s32 @!p0 $0x1  }
0x18: {  	_ =	swait.ge @!p0 [sflag:s20], $0x2000  }
0x19: {  	s19 =	sshll.u32 s18, $0x1;
	[sflag:s20] =	ssyncset.done @!p0 $0x0  }
0x1a: {  	s21 =	simm.s32 $0x5A00;
	[sflag:s20] =	ssyncadd.s32 @!p0 $0xFFFFE000;
	s20 =	simm.s32 $0x0  }
.LBB2_3:
0x1b: {  	s22 =	sshra.s32 s20, $0x2  }
0x1c: {  	v1 =	vld.idx.msk [tilespmem:v27+s22+$0xFFFFFFC0 ss:$0x1], $0xffff  }
0x1d: {  	v12 =	vld.idx.msk [tilespmem:v27+s22+$0xFFFFFFE0 ss:$0x1], $0xffff  }
0x1e: {  	v13 =	vld.idx.msk [tilespmem:v27+s22+$0xFFFFFFF0 ss:$0x1], $0xffff  }
0x1f: {  	v14 =	vld.idx.msk [tilespmem:v27+s22+$0x0 ss:$0x1], $0xffff  }
0x20: {  	v15 =	vld.idx.msk [tilespmem:v27+s22+$0x10 ss:$0x1], $0xffff;
	_ =	sdelay $0x1  }
0x21: {  	v16 =	vld.idx.msk [tilespmem:v27+s22+$0x20 ss:$0x1], $0xffff;
	v2 =	vshll.u32 v1, $0x3;
	v1 =	vand.u32 $0x7F, v1;
	v24 =	vshll.u32 v12, $0x3  }
0x22: {  	v12 =	vand.u32 $0x7F, v12;
	v30 =	vshll.u32 v13, $0x3;
	v13 =	vand.u32 $0x7F, v13  }
0x23: {  	v17 =	vld.idx.msk [tilespmem:v27+s22+$0x30 ss:$0x1], $0xffff;
	v37 =	vshll.u32 v14, $0x3;
	v14 =	vand.u32 $0x7F, v14;
	v2 =	vand.u32 $0xFFFFFC00, v2  }
0x24: {  	v44 =	vshll.u32 v15, $0x3;
	v62 =	vand.u32 $0xFFFFFC00, v24;
	v5 =	vor.u32 v1, v2  }
0x25: {  	v15 =	vand.u32 $0x7F, v15;
	v30 =	vand.u32 $0xFFFFFC00, v30;
	v12 =	vor.u32 v12, v62  }
0x26: {  	v51 =	vshll.u32 v16, $0x3;
	v37 =	vand.u32 $0xFFFFFC00, v37;
	v13 =	vor.u32 v13, v30  }
0x27: {  	v16 =	vand.u32 $0x7F, v16;
	v44 =	vand.u32 $0xFFFFFC00, v44;
	v14 =	vor.u32 v14, v37  }
0x28: {  	v4 =	vld.idx.msk [tilespmem:v27+s22+$0xFFFFFFD0 ss:$0x1], $0xffff;
	v58 =	vshll.u32 v17, $0x3;
	v51 =	vand.u32 $0xFFFFFC00, v51;
	v15 =	vor.u32 v15, v44  }
0x29: {  	v17 =	vand.u32 $0x7F, v17;
	v58 =	vand.u32 $0xFFFFFC00, v58;
	v16 =	vor.u32 v16, v51;
	v0 =	vld.idx.msk [tilespmem:v5+s3+$0x0], $0xffff  }
0x2a: {  	v17 =	vor.u32 v17, v58;
	v1 =	vld.idx.msk [tilespmem:v12+s3+$0x0], $0xffff  }
0x2b: {  	v2 =	vor.u32 $0x80, v5;
	v34 =	vld.idx.msk [tilespmem:v13+s3+$0x0], $0xffff  }
0x2c: {  	v3 =	vor.u32 $0x100, v5;
	v41 =	vld.idx.msk [tilespmem:v14+s3+$0x0], $0xffff  }
0x2d: {  	v6 =	vor.u32 $0x180, v5;
	v48 =	vld.idx.msk [tilespmem:v15+s3+$0x0], $0xffff  }
0x2e: {  	v7 =	vor.u32 $0x200, v5;
	v55 =	vld.idx.msk [tilespmem:v16+s3+$0x0], $0xffff  }
0x2f: {  	v8 =	vor.u32 $0x280, v5;
	v62 =	vld.idx.msk [tilespmem:v17+s3+$0x0], $0xffff  }
0x30: {  	v10 =	vshll.u32 v4, $0x3;
	v9 =	vor.u32 $0x300, v5;
	v60 =	vld.idx.msk [tilespmem:v2+s3+$0x0], $0xffff  }
0x31: {  	v61 =	vand.u32 $0x7F, v4;
	v10 =	vand.u32 $0xFFFFFC00, v10;
	v11 =	vor.u32 $0x380, v5;
	v3 =	vld.idx.msk [tilespmem:v3+s3+$0x0], $0xffff  }
0x32: {  	v18 =	vor.u32 v61, v10;
	v4 =	vld.idx.msk [tilespmem:v6+s3+$0x0], $0xffff  }
0x33: {  	v10 =	vor.u32 $0x80, v18;
	v5 =	vld.idx.msk [tilespmem:v7+s3+$0x0], $0xffff  }
0x34: {  	v19 =	vor.u32 $0x100, v18;
	v6 =	vld.idx.msk [tilespmem:v8+s3+$0x0], $0xffff  }
0x35: {  	v20 =	vor.u32 $0x180, v18;
	v7 =	vld.idx.msk [tilespmem:v9+s3+$0x0], $0xffff  }
0x36: {  	v21 =	vor.u32 $0x200, v18;
	v8 =	vld.idx.msk [tilespmem:v11+s3+$0x0], $0xffff  }
0x37: {  	v22 =	vor.u32 $0x280, v18;
	v9 =	vld.idx.msk [tilespmem:v18+s3+$0x0], $0xffff  }
0x38: {  	v23 =	vor.u32 $0x300, v18;
	v10 =	vld.idx.msk [tilespmem:v10+s3+$0x0], $0xffff  }
0x39: {  	v63 =	vor.u32 $0x80, v12;
	v11 =	vld.idx.msk [tilespmem:v19+s3+$0x0], $0xffff  }
0x3a: {  	v24 =	vor.u32 $0x100, v12;
	v20 =	vld.idx.msk [tilespmem:v20+s3+$0x0], $0xffff  }
0x3b: {  	v25 =	vor.u32 $0x180, v12;
	v19 =	vld.idx.msk [tilespmem:v21+s3+$0x0], $0xffff  }
0x3c: {  	v26 =	vor.u32 $0x200, v12;
	v22 =	vld.idx.msk [tilespmem:v22+s3+$0x0], $0xffff  }
0x3d: {  	v28 =	vor.u32 $0x280, v12;
	v23 =	vld.idx.msk [tilespmem:v23+s3+$0x0], $0xffff  }
0x3e: {  	v29 =	vor.u32 $0x300, v12;
	v21 =	vld.idx.msk [tilespmem:v63+s3+$0x0], $0xffff  }
0x3f: {  	v30 =	vor.u32 $0x80, v13;
	v24 =	vld.idx.msk [tilespmem:v24+s3+$0x0], $0xffff  }
0x40: {  	v31 =	vor.u32 $0x100, v13;
	v25 =	vld.idx.msk [tilespmem:v25+s3+$0x0], $0xffff  }
0x41: {  	v32 =	vor.u32 $0x180, v13;
	v26 =	vld.idx.msk [tilespmem:v26+s3+$0x0], $0xffff  }
0x42: {  	v33 =	vor.u32 $0x200, v13;
	v28 =	vld.idx.msk [tilespmem:v28+s3+$0x0], $0xffff  }
0x43: {  	v35 =	vor.u32 $0x280, v13;
	v29 =	vld.idx.msk [tilespmem:v29+s3+$0x0], $0xffff  }
0x44: {  	v36 =	vor.u32 $0x300, v13;
	v30 =	vld.idx.msk [tilespmem:v30+s3+$0x0], $0xffff  }
0x45: {  	v37 =	vor.u32 $0x80, v14;
	v31 =	vld.idx.msk [tilespmem:v31+s3+$0x0], $0xffff  }
0x46: {  	v38 =	vor.u32 $0x100, v14;
	v32 =	vld.idx.msk [tilespmem:v32+s3+$0x0], $0xffff  }
0x47: {  	v39 =	vor.u32 $0x180, v14;
	v33 =	vld.idx.msk [tilespmem:v33+s3+$0x0], $0xffff  }
0x48: {  	v40 =	vor.u32 $0x200, v14;
	v35 =	vld.idx.msk [tilespmem:v35+s3+$0x0], $0xffff  }
0x49: {  	v42 =	vor.u32 $0x280, v14;
	v36 =	vld.idx.msk [tilespmem:v36+s3+$0x0], $0xffff  }
0x4a: {  	v43 =	vor.u32 $0x300, v14;
	v37 =	vld.idx.msk [tilespmem:v37+s3+$0x0], $0xffff  }
0x4b: {  	v44 =	vor.u32 $0x80, v15;
	v38 =	vld.idx.msk [tilespmem:v38+s3+$0x0], $0xffff  }
0x4c: {  	v45 =	vor.u32 $0x100, v15;
	v39 =	vld.idx.msk [tilespmem:v39+s3+$0x0], $0xffff  }
0x4d: {  	v46 =	vor.u32 $0x180, v15;
	v40 =	vld.idx.msk [tilespmem:v40+s3+$0x0], $0xffff  }
0x4e: {  	v47 =	vor.u32 $0x200, v15;
	v42 =	vld.idx.msk [tilespmem:v42+s3+$0x0], $0xffff  }
0x4f: {  	v49 =	vor.u32 $0x280, v15;
	v43 =	vld.idx.msk [tilespmem:v43+s3+$0x0], $0xffff  }
0x50: {  	v50 =	vor.u32 $0x300, v15;
	v44 =	vld.idx.msk [tilespmem:v44+s3+$0x0], $0xffff  }
0x51: {  	v51 =	vor.u32 $0x80, v16;
	v45 =	vld.idx.msk [tilespmem:v45+s3+$0x0], $0xffff  }
0x52: {  	v52 =	vor.u32 $0x100, v16;
	v46 =	vld.idx.msk [tilespmem:v46+s3+$0x0], $0xffff  }
0x53: {  	v53 =	vor.u32 $0x180, v16;
	v47 =	vld.idx.msk [tilespmem:v47+s3+$0x0], $0xffff  }
0x54: {  	v54 =	vor.u32 $0x200, v16;
	v49 =	vld.idx.msk [tilespmem:v49+s3+$0x0], $0xffff  }
0x55: {  	v56 =	vor.u32 $0x280, v16;
	v50 =	vld.idx.msk [tilespmem:v50+s3+$0x0], $0xffff  }
0x56: {  	v57 =	vor.u32 $0x300, v16;
	v51 =	vld.idx.msk [tilespmem:v51+s3+$0x0], $0xffff  }
0x57: {  	v58 =	vor.u32 $0x80, v17;
	v52 =	vld.idx.msk [tilespmem:v52+s3+$0x0], $0xffff  }
0x58: {  	v59 =	vor.u32 $0x100, v17;
	v53 =	vld.idx.msk [tilespmem:v53+s3+$0x0], $0xffff  }
0x59: {  	v61 =	vor.u32 $0x200, v17;
	v54 =	vld.idx.msk [tilespmem:v54+s3+$0x0], $0xffff  }
0x5a: {  	v12 =	vor.u32 $0x380, v12;
	v56 =	vld.idx.msk [tilespmem:v56+s3+$0x0], $0xffff  }
0x5b: {  	v13 =	vor.u32 $0x380, v13;
	v57 =	vld.idx.msk [tilespmem:v57+s3+$0x0], $0xffff  }
0x5c: {  	v14 =	vor.u32 $0x380, v14;
	v58 =	vld.idx.msk [tilespmem:v58+s3+$0x0], $0xffff  }
0x5d: {  	v15 =	vor.u32 $0x380, v15;
	v59 =	vld.idx.msk [tilespmem:v59+s3+$0x0], $0xffff  }
0x5e: {  	v16 =	vor.u32 $0x380, v16;
	v61 =	vld.idx.msk [tilespmem:v61+s3+$0x0], $0xffff  }
0x5f: {  	v12 =	vld.idx.msk [tilespmem:v12+s3+$0x0], $0xffff  }
0x60: {  	v18 =	vor.u32 $0x380, v18;
	v13 =	vld.idx.msk [tilespmem:v13+s3+$0x0], $0xffff  }
0x61: {  	v63 =	vor.u32 $0x280, v17;
	v14 =	vld.idx.msk [tilespmem:v14+s3+$0x0], $0xffff  }
0x62: {  	[tilespmem:$0x1FFE0] =	vst v0;
	v15 =	vld.idx.msk [tilespmem:v15+s3+$0x0], $0xffff;
	v0 =	vor.u32 $0x300, v17  }
0x63: {  	v16 =	vld.idx.msk [tilespmem:v16+s3+$0x0], $0xffff;
	[tilespmem:$0x1FFF0] =	vst v60;
	v60 =	vor.u32 $0x180, v17  }
0x64: {  	v17 =	vor.u32 $0x380, v17;
	v2 =	vld [tilespmem:$0x1FFE0]  }
0x65: {  	v18 =	vld.idx.msk [tilespmem:v18+s3+$0x0], $0xffff  }
0x66: {  	v63 =	vld.idx.msk [tilespmem:v63+s3+$0x0], $0xffff  }
0x67: {  	v0 =	vld.idx.msk [tilespmem:v0+s3+$0x0], $0xffff  }
0x68: {  	v60 =	vld.idx.msk [tilespmem:v60+s3+$0x0], $0xffff  }
0x69: {  	v17 =	vld.idx.msk [tilespmem:v17+s3+$0x0], $0xffff;
	[tilespmem:s21+$0xFFFFFE00] =	vst v2  }
0x6a: {  	[tilespmem:s21+$0xFFFFFF00] =	vst v3  }
0x6b: {  	[tilespmem:s21+$0xFFFFFF80] =	vst v4  }
0x6c: {  	[tilespmem:s21+$0x0] =	vst v5  }
0x6d: {  	[tilespmem:s21+$0x80] =	vst v6  }
0x6e: {  	[tilespmem:s21+$0x100] =	vst v7  }
0x6f: {  	[tilespmem:s21+$0x180] =	vst v8  }
0x70: {  	[tilespmem:s21+$0xFFFFFE10] =	vst v9  }
0x71: {  	[tilespmem:s21+$0xFFFFFE90] =	vst v10  }
0x72: {  	[tilespmem:s21+$0xFFFFFF10] =	vst v11  }
0x73: {  	[tilespmem:s21+$0xFFFFFF90] =	vst v20  }
0x74: {  	[tilespmem:s21+$0x10] =	vst v19  }
0x75: {  	[tilespmem:s21+$0x90] =	vst v22  }
0x76: {  	[tilespmem:s21+$0x110] =	vst v23  }
0x77: {  	[tilespmem:s21+$0x190] =	vst v18  }
0x78: {  	[tilespmem:s21+$0xFFFFFE20] =	vst v1  }
0x79: {  	[tilespmem:s21+$0xFFFFFEA0] =	vst v21  }
0x7a: {  	[tilespmem:s21+$0xFFFFFF20] =	vst v24  }
0x7b: {  	[tilespmem:s21+$0xFFFFFFA0] =	vst v25  }
0x7c: {  	[tilespmem:s21+$0x20] =	vst v26  }
0x7d: {  	[tilespmem:s21+$0xA0] =	vst v28  }
0x7e: {  	[tilespmem:s21+$0x120] =	vst v29  }
0x7f: {  	[tilespmem:s21+$0x1A0] =	vst v12  }
0x80: {  	[tilespmem:s21+$0xFFFFFE30] =	vst v34  }
0x81: {  	[tilespmem:s21+$0xFFFFFEB0] =	vst v30  }
0x82: {  	[tilespmem:s21+$0xFFFFFF30] =	vst v31  }
0x83: {  	[tilespmem:s21+$0xFFFFFFB0] =	vst v32  }
0x84: {  	[tilespmem:s21+$0x30] =	vst v33  }
0x85: {  	[tilespmem:s21+$0xB0] =	vst v35  }
0x86: {  	[tilespmem:s21+$0x130] =	vst v36  }
0x87: {  	[tilespmem:s21+$0x1B0] =	vst v13  }
0x88: {  	[tilespmem:s21+$0xFFFFFE40] =	vst v41  }
0x89: {  	[tilespmem:s21+$0xFFFFFEC0] =	vst v37  }
0x8a: {  	[tilespmem:s21+$0xFFFFFF40] =	vst v38  }
0x8b: {  	[tilespmem:s21+$0xFFFFFFC0] =	vst v39  }
0x8c: {  	[tilespmem:s21+$0x40] =	vst v40  }
0x8d: {  	[tilespmem:s21+$0xC0] =	vst v42  }
0x8e: {  	[tilespmem:s21+$0x140] =	vst v43  }
0x8f: {  	[tilespmem:s21+$0x1C0] =	vst v14  }
0x90: {  	[tilespmem:s21+$0xFFFFFE50] =	vst v48  }
0x91: {  	[tilespmem:s21+$0xFFFFFED0] =	vst v44  }
0x92: {  	[tilespmem:s21+$0xFFFFFF50] =	vst v45  }
0x93: {  	[tilespmem:s21+$0xFFFFFFD0] =	vst v46  }
0x94: {  	[tilespmem:s21+$0x50] =	vst v47  }
0x95: {  	[tilespmem:s21+$0xD0] =	vst v49  }
0x96: {  	[tilespmem:s21+$0x150] =	vst v50  }
0x97: {  	[tilespmem:s21+$0x1D0] =	vst v15  }
0x98: {  	[tilespmem:s21+$0xFFFFFE60] =	vst v55  }
0x99: {  	[tilespmem:s21+$0xFFFFFEE0] =	vst v51  }
0x9a: {  	[tilespmem:s21+$0xFFFFFF60] =	vst v52  }
0x9b: {  	[tilespmem:s21+$0xFFFFFFE0] =	vst v53  }
0x9c: {  	[tilespmem:s21+$0x60] =	vst v54  }
0x9d: {  	[tilespmem:s21+$0xE0] =	vst v56  }
0x9e: {  	[tilespmem:s21+$0x160] =	vst v57  }
0x9f: {  	[tilespmem:s21+$0x1E0] =	vst v16  }
0xa0: {  	[tilespmem:s21+$0xFFFFFE70] =	vst v62  }
0xa1: {  	v2 =	vld [tilespmem:$0x1FFF0];
	[tilespmem:s21+$0xFFFFFEF0] =	vst v58  }
0xa2: {  	[tilespmem:s21+$0xFFFFFF70] =	vst v59  }
0xa3: {  	p1 =	sne.s32 s20, $0xE00;
	[tilespmem:s21+$0x70] =	vst v61  }
.Ltmp0:
0xa4: {  	[tilespmem:s21+$0xF0] =	vst v63;
	(pc) =	sbr.rel @p1 .LBB2_3-.Ltmp0, $4  }
0xa5: {  	[tilespmem:s21+$0x170] =	vst v0  }
0xa6: {  	[tilespmem:s21+$0xFFFFFE80] =	vst v2  }
0xa7: {  	[tilespmem:s21+$0xFFFFFFF0] =	vst v60  }
0xa8: {  	s20 =	sadd.s32 $0x200, s20;
	[tilespmem:s21+$0x1F0] =	vst v17;
	s21 =	sadd.s32 $0x400, s21  }
0xa9: {  	s20 =	sadd.s32 s4, s19  }
0xaa: {  	s20 =	sshll.u32 s20, $0x10  }
0xab: {  	s20 =	sor.u32 s5, s20  }
0xac: {  	s20 =	sshrl.u32 s20, $0x3  }
0xad: {  	s20 =	sadd.s32 s2, s20  }
0xae: {  	[hbm4b:s20+s3] =	stream.linear.scatter [tilespmem:s11], [sflag:$0x1], $0x2000, $0x38;
	[tilespmem:$0x9800] =	vst v63  }
0xaf: {  	v27 =	vmov s17;
	s20 =	simm.s32 @!p0 $0x2  }
0xb0: {  	_ =	swait.ge @!p0 [sflag:s20], $0x2000  }
0xb1: {  	s19 =	sor.u32 $0x1, s19;
	[sflag:s20] =	ssyncset.done @!p0 $0x0  }
0xb2: {  	s21 =	simm.s32 $0x7A00;
	[sflag:s20] =	ssyncadd.s32 @!p0 $0xFFFFE000;
	s20 =	simm.s32 $0x0  }
.LBB2_5:
0xb3: {  	s22 =	sshra.s32 s20, $0x2  }
0xb4: {  	v1 =	vld.idx.msk [tilespmem:v27+s22+$0x0 ss:$0x1], $0xffff  }
0xb5: {  	v12 =	vld.idx.msk [tilespmem:v27+s22+$0x20 ss:$0x1], $0xffff  }
0xb6: {  	v13 =	vld.idx.msk [tilespmem:v27+s22+$0x30 ss:$0x1], $0xffff  }
0xb7: {  	v14 =	vld.idx.msk [tilespmem:v27+s22+$0x40 ss:$0x1], $0xffff  }
0xb8: {  	v15 =	vld.idx.msk [tilespmem:v27+s22+$0x50 ss:$0x1], $0xffff;
	_ =	sdelay $0x1  }
0xb9: {  	v16 =	vld.idx.msk [tilespmem:v27+s22+$0x60 ss:$0x1], $0xffff;
	v2 =	vshll.u32 v1, $0x3;
	v1 =	vand.u32 $0x7F, v1;
	v24 =	vshll.u32 v12, $0x3  }
0xba: {  	v12 =	vand.u32 $0x7F, v12;
	v30 =	vshll.u32 v13, $0x3;
	v13 =	vand.u32 $0x7F, v13  }
0xbb: {  	v17 =	vld.idx.msk [tilespmem:v27+s22+$0x70 ss:$0x1], $0xffff;
	v37 =	vshll.u32 v14, $0x3;
	v14 =	vand.u32 $0x7F, v14;
	v2 =	vand.u32 $0xFFFFFC00, v2  }
0xbc: {  	v44 =	vshll.u32 v15, $0x3;
	v62 =	vand.u32 $0xFFFFFC00, v24;
	v5 =	vor.u32 v1, v2  }
0xbd: {  	v15 =	vand.u32 $0x7F, v15;
	v30 =	vand.u32 $0xFFFFFC00, v30;
	v12 =	vor.u32 v12, v62  }
0xbe: {  	v51 =	vshll.u32 v16, $0x3;
	v37 =	vand.u32 $0xFFFFFC00, v37;
	v13 =	vor.u32 v13, v30  }
0xbf: {  	v16 =	vand.u32 $0x7F, v16;
	v44 =	vand.u32 $0xFFFFFC00, v44;
	v14 =	vor.u32 v14, v37  }
0xc0: {  	v4 =	vld.idx.msk [tilespmem:v27+s22+$0x10 ss:$0x1], $0xffff;
	v58 =	vshll.u32 v17, $0x3;
	v51 =	vand.u32 $0xFFFFFC00, v51;
	v15 =	vor.u32 v15, v44  }
0xc1: {  	v17 =	vand.u32 $0x7F, v17;
	v58 =	vand.u32 $0xFFFFFC00, v58;
	v16 =	vor.u32 v16, v51;
	v0 =	vld.idx.msk [tilespmem:v5+s3+$0x0], $0xffff  }
0xc2: {  	v17 =	vor.u32 v17, v58;
	v1 =	vld.idx.msk [tilespmem:v12+s3+$0x0], $0xffff  }
0xc3: {  	v2 =	vor.u32 $0x80, v5;
	v34 =	vld.idx.msk [tilespmem:v13+s3+$0x0], $0xffff  }
0xc4: {  	v3 =	vor.u32 $0x100, v5;
	v41 =	vld.idx.msk [tilespmem:v14+s3+$0x0], $0xffff  }
0xc5: {  	v6 =	vor.u32 $0x180, v5;
	v48 =	vld.idx.msk [tilespmem:v15+s3+$0x0], $0xffff  }
0xc6: {  	v7 =	vor.u32 $0x200, v5;
	v55 =	vld.idx.msk [tilespmem:v16+s3+$0x0], $0xffff  }
0xc7: {  	v8 =	vor.u32 $0x280, v5;
	v62 =	vld.idx.msk [tilespmem:v17+s3+$0x0], $0xffff  }
0xc8: {  	v10 =	vshll.u32 v4, $0x3;
	v9 =	vor.u32 $0x300, v5;
	v60 =	vld.idx.msk [tilespmem:v2+s3+$0x0], $0xffff  }
0xc9: {  	v61 =	vand.u32 $0x7F, v4;
	v10 =	vand.u32 $0xFFFFFC00, v10;
	v11 =	vor.u32 $0x380, v5;
	v3 =	vld.idx.msk [tilespmem:v3+s3+$0x0], $0xffff  }
0xca: {  	v18 =	vor.u32 v61, v10;
	v4 =	vld.idx.msk [tilespmem:v6+s3+$0x0], $0xffff  }
0xcb: {  	v10 =	vor.u32 $0x80, v18;
	v5 =	vld.idx.msk [tilespmem:v7+s3+$0x0], $0xffff  }
0xcc: {  	v19 =	vor.u32 $0x100, v18;
	v6 =	vld.idx.msk [tilespmem:v8+s3+$0x0], $0xffff  }
0xcd: {  	v20 =	vor.u32 $0x180, v18;
	v7 =	vld.idx.msk [tilespmem:v9+s3+$0x0], $0xffff  }
0xce: {  	v21 =	vor.u32 $0x200, v18;
	v8 =	vld.idx.msk [tilespmem:v11+s3+$0x0], $0xffff  }
0xcf: {  	v22 =	vor.u32 $0x280, v18;
	v9 =	vld.idx.msk [tilespmem:v18+s3+$0x0], $0xffff  }
0xd0: {  	v23 =	vor.u32 $0x300, v18;
	v10 =	vld.idx.msk [tilespmem:v10+s3+$0x0], $0xffff  }
0xd1: {  	v63 =	vor.u32 $0x80, v12;
	v11 =	vld.idx.msk [tilespmem:v19+s3+$0x0], $0xffff  }
0xd2: {  	v24 =	vor.u32 $0x100, v12;
	v20 =	vld.idx.msk [tilespmem:v20+s3+$0x0], $0xffff  }
0xd3: {  	v25 =	vor.u32 $0x180, v12;
	v19 =	vld.idx.msk [tilespmem:v21+s3+$0x0], $0xffff  }
0xd4: {  	v26 =	vor.u32 $0x200, v12;
	v22 =	vld.idx.msk [tilespmem:v22+s3+$0x0], $0xffff  }
0xd5: {  	v28 =	vor.u32 $0x280, v12;
	v23 =	vld.idx.msk [tilespmem:v23+s3+$0x0], $0xffff  }
0xd6: {  	v29 =	vor.u32 $0x300, v12;
	v21 =	vld.idx.msk [tilespmem:v63+s3+$0x0], $0xffff  }
0xd7: {  	v30 =	vor.u32 $0x80, v13;
	v24 =	vld.idx.msk [tilespmem:v24+s3+$0x0], $0xffff  }
0xd8: {  	v31 =	vor.u32 $0x100, v13;
	v25 =	vld.idx.msk [tilespmem:v25+s3+$0x0], $0xffff  }
0xd9: {  	v32 =	vor.u32 $0x180, v13;
	v26 =	vld.idx.msk [tilespmem:v26+s3+$0x0], $0xffff  }
0xda: {  	v33 =	vor.u32 $0x200, v13;
	v28 =	vld.idx.msk [tilespmem:v28+s3+$0x0], $0xffff  }
0xdb: {  	v35 =	vor.u32 $0x280, v13;
	v29 =	vld.idx.msk [tilespmem:v29+s3+$0x0], $0xffff  }
0xdc: {  	v36 =	vor.u32 $0x300, v13;
	v30 =	vld.idx.msk [tilespmem:v30+s3+$0x0], $0xffff  }
0xdd: {  	v37 =	vor.u32 $0x80, v14;
	v31 =	vld.idx.msk [tilespmem:v31+s3+$0x0], $0xffff  }
0xde: {  	v38 =	vor.u32 $0x100, v14;
	v32 =	vld.idx.msk [tilespmem:v32+s3+$0x0], $0xffff  }
0xdf: {  	v39 =	vor.u32 $0x180, v14;
	v33 =	vld.idx.msk [tilespmem:v33+s3+$0x0], $0xffff  }
0xe0: {  	v40 =	vor.u32 $0x200, v14;
	v35 =	vld.idx.msk [tilespmem:v35+s3+$0x0], $0xffff  }
0xe1: {  	v42 =	vor.u32 $0x280, v14;
	v36 =	vld.idx.msk [tilespmem:v36+s3+$0x0], $0xffff  }
0xe2: {  	v43 =	vor.u32 $0x300, v14;
	v37 =	vld.idx.msk [tilespmem:v37+s3+$0x0], $0xffff  }
0xe3: {  	v44 =	vor.u32 $0x80, v15;
	v38 =	vld.idx.msk [tilespmem:v38+s3+$0x0], $0xffff  }
0xe4: {  	v45 =	vor.u32 $0x100, v15;
	v39 =	vld.idx.msk [tilespmem:v39+s3+$0x0], $0xffff  }
0xe5: {  	v46 =	vor.u32 $0x180, v15;
	v40 =	vld.idx.msk [tilespmem:v40+s3+$0x0], $0xffff  }
0xe6: {  	v47 =	vor.u32 $0x200, v15;
	v42 =	vld.idx.msk [tilespmem:v42+s3+$0x0], $0xffff  }
0xe7: {  	v49 =	vor.u32 $0x280, v15;
	v43 =	vld.idx.msk [tilespmem:v43+s3+$0x0], $0xffff  }
0xe8: {  	v50 =	vor.u32 $0x300, v15;
	v44 =	vld.idx.msk [tilespmem:v44+s3+$0x0], $0xffff  }
0xe9: {  	v51 =	vor.u32 $0x80, v16;
	v45 =	vld.idx.msk [tilespmem:v45+s3+$0x0], $0xffff  }
0xea: {  	v52 =	vor.u32 $0x100, v16;
	v46 =	vld.idx.msk [tilespmem:v46+s3+$0x0], $0xffff  }
0xeb: {  	v53 =	vor.u32 $0x180, v16;
	v47 =	vld.idx.msk [tilespmem:v47+s3+$0x0], $0xffff  }
0xec: {  	v54 =	vor.u32 $0x200, v16;
	v49 =	vld.idx.msk [tilespmem:v49+s3+$0x0], $0xffff  }
0xed: {  	v56 =	vor.u32 $0x280, v16;
	v50 =	vld.idx.msk [tilespmem:v50+s3+$0x0], $0xffff  }
0xee: {  	v57 =	vor.u32 $0x300, v16;
	v51 =	vld.idx.msk [tilespmem:v51+s3+$0x0], $0xffff  }
0xef: {  	v58 =	vor.u32 $0x80, v17;
	v52 =	vld.idx.msk [tilespmem:v52+s3+$0x0], $0xffff  }
0xf0: {  	v59 =	vor.u32 $0x100, v17;
	v53 =	vld.idx.msk [tilespmem:v53+s3+$0x0], $0xffff  }
0xf1: {  	v61 =	vor.u32 $0x200, v17;
	v54 =	vld.idx.msk [tilespmem:v54+s3+$0x0], $0xffff  }
0xf2: {  	v12 =	vor.u32 $0x380, v12;
	v56 =	vld.idx.msk [tilespmem:v56+s3+$0x0], $0xffff  }
0xf3: {  	v13 =	vor.u32 $0x380, v13;
	v57 =	vld.idx.msk [tilespmem:v57+s3+$0x0], $0xffff  }
0xf4: {  	v14 =	vor.u32 $0x380, v14;
	v58 =	vld.idx.msk [tilespmem:v58+s3+$0x0], $0xffff  }
0xf5: {  	v15 =	vor.u32 $0x380, v15;
	v59 =	vld.idx.msk [tilespmem:v59+s3+$0x0], $0xffff  }
0xf6: {  	v16 =	vor.u32 $0x380, v16;
	v61 =	vld.idx.msk [tilespmem:v61+s3+$0x0], $0xffff  }
0xf7: {  	v12 =	vld.idx.msk [tilespmem:v12+s3+$0x0], $0xffff  }
0xf8: {  	v18 =	vor.u32 $0x380, v18;
	v13 =	vld.idx.msk [tilespmem:v13+s3+$0x0], $0xffff  }
0xf9: {  	v63 =	vor.u32 $0x280, v17;
	v14 =	vld.idx.msk [tilespmem:v14+s3+$0x0], $0xffff  }
0xfa: {  	[tilespmem:$0x1FFC0] =	vst v0;
	v15 =	vld.idx.msk [tilespmem:v15+s3+$0x0], $0xffff;
	v0 =	vor.u32 $0x300, v17  }
0xfb: {  	v16 =	vld.idx.msk [tilespmem:v16+s3+$0x0], $0xffff;
	[tilespmem:$0x1FFD0] =	vst v60;
	v60 =	vor.u32 $0x180, v17  }
0xfc: {  	v17 =	vor.u32 $0x380, v17;
	v2 =	vld [tilespmem:$0x1FFC0]  }
0xfd: {  	v18 =	vld.idx.msk [tilespmem:v18+s3+$0x0], $0xffff  }
0xfe: {  	v63 =	vld.idx.msk [tilespmem:v63+s3+$0x0], $0xffff  }
0xff: {  	v0 =	vld.idx.msk [tilespmem:v0+s3+$0x0], $0xffff  }
0x100: {  	v60 =	vld.idx.msk [tilespmem:v60+s3+$0x0], $0xffff  }
0x101: {  	v17 =	vld.idx.msk [tilespmem:v17+s3+$0x0], $0xffff;
	[tilespmem:s21+$0xFFFFFE00] =	vst v2  }
0x102: {  	[tilespmem:s21+$0xFFFFFF00] =	vst v3  }
0x103: {  	[tilespmem:s21+$0xFFFFFF80] =	vst v4  }
0x104: {  	[tilespmem:s21+$0x0] =	vst v5  }
0x105: {  	[tilespmem:s21+$0x80] =	vst v6  }
0x106: {  	[tilespmem:s21+$0x100] =	vst v7  }
0x107: {  	[tilespmem:s21+$0x180] =	vst v8  }
0x108: {  	[tilespmem:s21+$0xFFFFFE10] =	vst v9  }
0x109: {  	[tilespmem:s21+$0xFFFFFE90] =	vst v10  }
0x10a: {  	[tilespmem:s21+$0xFFFFFF10] =	vst v11  }
0x10b: {  	[tilespmem:s21+$0xFFFFFF90] =	vst v20  }
0x10c: {  	[tilespmem:s21+$0x10] =	vst v19  }
0x10d: {  	[tilespmem:s21+$0x90] =	vst v22  }
0x10e: {  	[tilespmem:s21+$0x110] =	vst v23  }
0x10f: {  	[tilespmem:s21+$0x190] =	vst v18  }
0x110: {  	[tilespmem:s21+$0xFFFFFE20] =	vst v1  }
0x111: {  	[tilespmem:s21+$0xFFFFFEA0] =	vst v21  }
0x112: {  	[tilespmem:s21+$0xFFFFFF20] =	vst v24  }
0x113: {  	[tilespmem:s21+$0xFFFFFFA0] =	vst v25  }
0x114: {  	[tilespmem:s21+$0x20] =	vst v26  }
0x115: {  	[tilespmem:s21+$0xA0] =	vst v28  }
0x116: {  	[tilespmem:s21+$0x120] =	vst v29  }
0x117: {  	[tilespmem:s21+$0x1A0] =	vst v12  }
0x118: {  	[tilespmem:s21+$0xFFFFFE30] =	vst v34  }
0x119: {  	[tilespmem:s21+$0xFFFFFEB0] =	vst v30  }
0x11a: {  	[tilespmem:s21+$0xFFFFFF30] =	vst v31  }
0x11b: {  	[tilespmem:s21+$0xFFFFFFB0] =	vst v32  }
0x11c: {  	[tilespmem:s21+$0x30] =	vst v33  }
0x11d: {  	[tilespmem:s21+$0xB0] =	vst v35  }
0x11e: {  	[tilespmem:s21+$0x130] =	vst v36  }
0x11f: {  	[tilespmem:s21+$0x1B0] =	vst v13  }
0x120: {  	[tilespmem:s21+$0xFFFFFE40] =	vst v41  }
0x121: {  	[tilespmem:s21+$0xFFFFFEC0] =	vst v37  }
0x122: {  	[tilespmem:s21+$0xFFFFFF40] =	vst v38  }
0x123: {  	[tilespmem:s21+$0xFFFFFFC0] =	vst v39  }
0x124: {  	[tilespmem:s21+$0x40] =	vst v40  }
0x125: {  	[tilespmem:s21+$0xC0] =	vst v42  }
0x126: {  	[tilespmem:s21+$0x140] =	vst v43  }
0x127: {  	[tilespmem:s21+$0x1C0] =	vst v14  }
0x128: {  	[tilespmem:s21+$0xFFFFFE50] =	vst v48  }
0x129: {  	[tilespmem:s21+$0xFFFFFED0] =	vst v44  }
0x12a: {  	[tilespmem:s21+$0xFFFFFF50] =	vst v45  }
0x12b: {  	[tilespmem:s21+$0xFFFFFFD0] =	vst v46  }
0x12c: {  	[tilespmem:s21+$0x50] =	vst v47  }
0x12d: {  	[tilespmem:s21+$0xD0] =	vst v49  }
0x12e: {  	[tilespmem:s21+$0x150] =	vst v50  }
0x12f: {  	[tilespmem:s21+$0x1D0] =	vst v15  }
0x130: {  	[tilespmem:s21+$0xFFFFFE60] =	vst v55  }
0x131: {  	[tilespmem:s21+$0xFFFFFEE0] =	vst v51  }
0x132: {  	[tilespmem:s21+$0xFFFFFF60] =	vst v52  }
0x133: {  	[tilespmem:s21+$0xFFFFFFE0] =	vst v53  }
0x134: {  	[tilespmem:s21+$0x60] =	vst v54  }
0x135: {  	[tilespmem:s21+$0xE0] =	vst v56  }
0x136: {  	[tilespmem:s21+$0x160] =	vst v57  }
0x137: {  	[tilespmem:s21+$0x1E0] =	vst v16  }
0x138: {  	[tilespmem:s21+$0xFFFFFE70] =	vst v62  }
0x139: {  	v2 =	vld [tilespmem:$0x1FFD0];
	[tilespmem:s21+$0xFFFFFEF0] =	vst v58  }
0x13a: {  	[tilespmem:s21+$0xFFFFFF70] =	vst v59  }
0x13b: {  	p0 =	sne.s32 s20, $0xE00;
	[tilespmem:s21+$0x70] =	vst v61  }
.Ltmp1:
0x13c: {  	[tilespmem:s21+$0xF0] =	vst v63;
	(pc) =	sbr.rel @p0 .LBB2_5-.Ltmp1, $4  }
0x13d: {  	[tilespmem:s21+$0x170] =	vst v0  }
0x13e: {  	[tilespmem:s21+$0xFFFFFE80] =	vst v2  }
0x13f: {  	[tilespmem:s21+$0xFFFFFFF0] =	vst v60  }
0x140: {  	s20 =	sadd.s32 $0x200, s20;
	[tilespmem:s21+$0x1F0] =	vst v17;
	s21 =	sadd.s32 $0x400, s21  }
0x141: {  	s18 =	sadd.s32 $0x1, s18  }
0x142: {  	s19 =	sadd.s32 s4, s19;
	p0 =	sne.s32 s18, $0x7  }
.Ltmp2:
0x143: {  	s19 =	sshll.u32 s19, $0x10;
	(pc) =	sbr.rel @p0 .LBB2_2-.Ltmp2, $4  }
0x144: {  	s19 =	sor.u32 s5, s19  }
0x145: {  	s19 =	sshrl.u32 s19, $0x3  }
0x146: {  	s16 =	sadd.s32 $0x800, s16;
	s17 =	sadd.s32 $0x800, s17;
	s19 =	sadd.s32 s2, s19  }
0x147: {  	[hbm4b:s19+s3] =	stream.linear.scatter [tilespmem:s12], [sflag:$0x2], $0x2000, $0x38;
	[tilespmem:$0x9800] =	vst v63  }
0x148: {  	s15 =	sadd.s32 $0x1, s15  }
0x149: {  	_ =	swait.ge [sflag:s13], $0x2000;
	p0 =	sne.s32 s15, s8  }
.Ltmp3:
0x14a: {  	[sflag:s13] =	ssyncset.done $0x0;
	(pc) =	sbr.rel @p0 .LBB2_1-.Ltmp3, $4  }
0x14b: {  	[sflag:s13] =	ssyncadd.s32 $0xFFFFE000  }
0x14c: {  	_ =	swait.ge [sflag:s14], $0x2000  }
0x14d: {  	[sflag:s14] =	ssyncset.done $0x0  }
0x14e: {  	[sflag:s14] =	ssyncadd.s32 $0xFFFFE000  }
0x14f: {  	_ =	sfence.sel $0x180000  }
0x150: {  	[bflag:$0x0] =	sbarrier.arrive $0xFFFF  }
0x151: {  	p0 =	sne.s32 s1, $0x0;
	_ =	strace $0x90000047  }
0x152: {  	s0 =	sadd.s32 @!p0 $0x100000, s0;
	[bflag:$0x2] =	sbarrier.arrive $0xFFFF  }
0x153: {  	[sflag:s0] =	ssyncadd.tile.s32 @!p0 $0x1;
	_ =	shalt  }
.Lfunc_end2:
_tile_overlayer_lowered:
.L_overlay_start_2:
0x154: {  	(tag) =	ssettag $0x2  }
0x155: {  	s0 =	rddreg [dreg:$0x0];
	s2 =	stileid.u32  }
0x156: {  	s1 =	rddreg [dreg:$0x1];
	p0 =	sne.s32 s2, $0x0  }
0x157: {  	s3 =	rddreg [dreg:$0x2];
	[bflag:$0x3] =	sbarrier.arrive $0xFFFF;
	s2 =	simm.s32 @!p0 $0x1C03  }
0x158: {  	[timem:s3], [sflag:s2] =	dma.local @!p0 [hbm:s0], s1  }
0x159: {  	s0 =	simm.s32 @!p0 $0x3  }
0x15a: {  	_ =	swait.ge @!p0 [sflag:s0], s1  }
0x15b: {  	s1 =	ssub.s32 @!p0 $0x0, s1;
	[sflag:s0] =	ssyncset.done @!p0 $0x0  }
0x15c: {  	[sflag:s0] =	ssyncadd.s32 @!p0 s1  }
0x15d: {  	[bflag:$0x3] =	sbarrier.arrive $0xFFFF  }
0x15e: {  	_ =	shalt  }

</sc_bundles>
